<compile_context>
chip_gen: v7x
topology: tpu7x:2x2x1
jax: 0.10.2.dev20260603
libtpu: 0.0.44.dev20260713+nightly
codegen_flags: <defaults>
</compile_context>

<pallas_src>
import functools

import jax
import jax.numpy as jnp
from jax import lax
from jax.experimental import pallas as pl
from jax.experimental.pallas import tpu as pltpu
from jax.experimental.pallas import tpu_sc as plsc

N = 10000
K = 32
C_IN = 128
C_ADD = 16
C_MID = 8
C_OUT = 128

NUM_WORKERS = 32
ROWS_PER_W = N * K // NUM_WORKERS
CHUNK = 400
SUB = 80
NCHUNKS = ROWS_PER_W // CHUNK
ROW_W = C_IN // 2

NB = 200
GRID = N // NB
GP = NB // 8


def _sc_gather(table_i32, idx_flat):
    mesh = plsc.VectorSubcoreMesh(core_axis_name="c", subcore_axis_name="s")

    @functools.partial(
        pl.kernel,
        out_type=jax.ShapeDtypeStruct((N * K, ROW_W), jnp.int32),
        mesh=mesh,
        scratch_types=[
            pltpu.VMEM((CHUNK,), jnp.int32),
            pltpu.VMEM((CHUNK, ROW_W), jnp.int32),
            pltpu.SemaphoreType.DMA,
        ],
        compiler_params=pltpu.CompilerParams(use_tc_tiling_on_sc=False),
    )
    def body(table_hbm, idx_hbm, out_hbm, idx_v, rows_v, sem):
        wid = lax.axis_index("s") * 2 + lax.axis_index("c")
        base = wid * ROWS_PER_W

        def chunk_body(t, carry):
            off = base + t * CHUNK
            pltpu.sync_copy(idx_hbm.at[pl.ds(off, CHUNK)], idx_v)
            cps = [
                pltpu.async_copy(
                    table_hbm.at[idx_v.at[pl.ds(j * SUB, SUB)]],
                    rows_v.at[pl.ds(j * SUB, SUB)],
                    sem,
                )
                for j in range(CHUNK // SUB)
            ]
            for c in cps:
                c.wait()
            pltpu.sync_copy(rows_v, out_hbm.at[pl.ds(off, CHUNK)])
            return carry

        lax.fori_loop(0, NCHUNKS, chunk_body, 0)

    return body(table_i32, idx_flat)


def _tc_body(g_ref, wnt_ref, add_ref, wg2_ref, wa2_ref, b_ref, out_ref,
             wf_scr, wfa_scr):
    rr = lax.broadcasted_iota(jnp.int32, (8 * K, 8 * C_MID), 0) // K
    qq = lax.broadcasted_iota(jnp.int32, (8 * K, 8 * C_MID), 1) % 8
    diag = rr == qq
    for g in range(GP):
        wblk = jnp.where(diag, wnt_ref[pl.ds(g * 8 * K, 8 * K)],
                         jnp.bfloat16(0))
        g8 = g_ref[pl.ds(g * 8 * K, 8 * K)]
        a8 = add_ref[pl.ds(g * 8 * K, 8 * K)]
        wfT = lax.dot_general(wblk, g8, (((0,), (0,)), ((), ())),
                              preferred_element_type=jnp.float32)
        wfaT = lax.dot_general(wblk, a8, (((0,), (0,)), ((), ())),
                               preferred_element_type=jnp.float32)
        wf_scr[:, pl.ds(g * 8, 8), :] = (
            wfT.astype(jnp.bfloat16).reshape(C_MID, 8, C_IN))
        wfa_scr[:, pl.ds(g * 8, 8), :] = (
            wfaT.astype(jnp.bfloat16).reshape(C_MID, 8, C_ADD))
    acc = jnp.zeros((NB, C_OUT), jnp.float32)
    for m in range(C_MID):
        acc = acc + lax.dot_general(
            wf_scr[m], wg2_ref[m],
            (((1,), (0,)), ((), ())), preferred_element_type=jnp.float32)
        acc = acc + lax.dot_general(
            wfa_scr[m], wa2_ref[m],
            (((1,), (0,)), ((), ())), preferred_element_type=jnp.float32)
    out_ref[...] = acc + b_ref[0]


def _tc_call(g_bf, wn_t, add_bf, wg2, wa2, bias2d):
    return pl.pallas_call(
        _tc_body,
        grid=(GRID,),
        in_specs=[
            pl.BlockSpec((NB * K, C_IN), lambda i: (i, 0)),
            pl.BlockSpec((NB * K, C_MID * 8), lambda i: (i, 0)),
            pl.BlockSpec((NB * K, C_ADD), lambda i: (i, 0)),
            pl.BlockSpec((C_MID, C_IN, C_OUT), lambda i: (0, 0, 0)),
            pl.BlockSpec((C_MID, C_ADD, C_OUT), lambda i: (0, 0, 0)),
            pl.BlockSpec((1, C_OUT), lambda i: (0, 0)),
        ],
        out_specs=pl.BlockSpec((NB, C_OUT), lambda i: (i, 0)),
        out_shape=jax.ShapeDtypeStruct((N, C_OUT), jnp.float32),
        scratch_shapes=[
            pltpu.VMEM((C_MID, NB, C_IN), jnp.bfloat16),
            pltpu.VMEM((C_MID, NB, C_ADD), jnp.bfloat16),
        ],
    )(g_bf, wn_t, add_bf, wg2, wa2, bias2d)


def kernel(input_features, neighbor_inds, weightnet, additional_features,
           linear_weight, linear_bias):
    B = input_features.shape[0]
    table_bf = input_features[0].astype(jnp.bfloat16)
    table_i32 = lax.bitcast_convert_type(
        table_bf.reshape(N, ROW_W, 2), jnp.int32)
    idx_flat = neighbor_inds[0].reshape(N * K)

    g_i32 = _sc_gather(table_i32, idx_flat)
    g_bf = lax.bitcast_convert_type(g_i32, jnp.bfloat16).reshape(N * K, C_IN)

    wn8 = weightnet[0].reshape(N * K, C_MID).astype(jnp.bfloat16)
    wn_t = jnp.broadcast_to(wn8[:, :, None],
                            (N * K, C_MID, 8)).reshape(N * K, C_MID * 8)
    add_bf = additional_features[0].reshape(N * K, C_ADD).astype(jnp.bfloat16)
    wr = linear_weight.reshape(C_OUT, C_IN + C_ADD, C_MID)
    wg2 = jnp.transpose(wr[:, :C_IN, :], (2, 1, 0)).astype(jnp.bfloat16)
    wa2 = jnp.transpose(wr[:, C_IN:, :], (2, 1, 0)).astype(jnp.bfloat16)

    out = _tc_call(g_bf, wn_t, add_bf, wg2, wa2, linear_bias.reshape(1, C_OUT))
    return out.reshape(B, N, C_OUT)

# --- scband reference (transcript-rebuilt; emitter-appended) ---
"""Pipeline reference for scband-pconv-linear-4097398800823 (READ-ONLY COPY).

The authoritative reference and input builder live on the scoring server;
editing this copy changes nothing except your own understanding.
"""

import jax, jax.numpy as jnp
import numpy as np


def setup_inputs(seed: int = 0) -> dict:
    key = jax.random.key(seed)
    ks = jax.random.split(key, 6)
    B, N, K = 1, 10000, 32
    C_in, C_add, C_mid, C_out = 128, 16, 8, 128
    in_features = (C_in + C_add) * C_mid
    input_features = jax.random.normal(ks[0], (B, N, C_in), dtype=jnp.float32)
    neighbor_inds = jax.random.randint(ks[1], (B, N, K), 0, N, dtype=jnp.int32)
    weightnet = jax.random.normal(ks[2], (B, N, K, C_mid), dtype=jnp.float32)
    additional_features = jax.random.normal(ks[3], (B, N, K, C_add), dtype=jnp.float32)
    linear_weight = jax.random.normal(ks[4], (C_out, in_features), dtype=jnp.float32) * (1.0 / np.sqrt(in_features))
    linear_bias = jax.random.normal(ks[5], (C_out,), dtype=jnp.float32) * 0.01
    return {
        "input_features": input_features,
        "neighbor_inds": neighbor_inds,
        "weightnet": weightnet,
        "additional_features": additional_features,
        "linear_weight": linear_weight,
        "linear_bias": linear_bias,
    }


def reference(input_features, neighbor_inds, weightnet, additional_features, linear_weight, linear_bias):
    # PConv: gather neighbor features along the point dimension
    # gathered[b, n, k, c] = input_features[b, neighbor_inds[b, n, k], c]
    B, N, C_in = input_features.shape
    gathered = jnp.take_along_axis(
        input_features[:, :, None, :],  # [B, N, 1, C_in]
        neighbor_inds[:, :, :, None],   # [B, N, K, 1]
        axis=1,
    )  # [B, N, K, C_in]
    # concat additional (e.g. viewpoint-invariant) per-neighbor features
    feats = jnp.concatenate([gathered, additional_features], axis=-1)  # [B, N, K, C_in + C_add]
    # PointConv aggregation: matmul(feats^T, weightnet) over the K neighbors
    # new_feat[b, n, c, m] = sum_k feats[b, n, k, c] * weightnet[b, n, k, m]
    new_feat = jnp.einsum("bnkc,bnkm->bncm", feats, weightnet)
    new_feat = new_feat.reshape(B, N, -1)  # [B, N, (C_in + C_add) * C_mid]
    # fused linear layer
    out = new_feat @ linear_weight.T + linear_bias  # [B, N, C_out]
    return out

if __name__ == "__main__":
    import jax
    _d = setup_inputs()
    print(jax.jit(kernel)(*tuple(_d.values())))

</pallas_src>

<mosaic_0001>
#map = affine_map<(d0, d1) -> (0, 0)>
#map1 = affine_map<(d0, d1) -> (0)>
module attributes {stable_mosaic.version = 14 : i64} {
  func.func @body(%arg0: i32, %arg1: i32, %arg2: memref<10000x64xi32, #tpu.memory_space<hbm>>, %arg3: memref<320000xi32, #tpu.memory_space<hbm>>, %arg4: memref<320000x64xi32, #tpu.memory_space<hbm>>, %arg5: memref<400xi32, #tpu.memory_space<vmem>>, %arg6: memref<400x64xi32, #tpu.memory_space<vmem>>, %arg7: memref<!tpu.dma_semaphore, #tpu.memory_space<semaphore_mem>>) attributes {dimension_semantics = [#tpu.dimension_semantics<core_parallel>, #tpu.dimension_semantics<subcore_parallel>], iteration_bounds = array<i64: 2, 16>, scalar_prefetch = 0 : i64, scratch_operands = 3 : i64, tpu.core_type = #tpu.core_type<sc_vector_subcore>, window_params = [{transform_indices = #map}, {transform_indices = #map1}, {transform_indices = #map}]} {
    %mul3A = arith.constant 2 : i32
    %mul3A_0 = arith.muli %arg1, %mul3A : i32
    %add3A = arith.addi %mul3A_0, %arg0 : i32
    %mul3A_1 = arith.constant 10000 : i32
    %mul3A_2 = arith.muli %add3A, %mul3A_1 : i32
    %scan3A = arith.constant 0 : i32
    %scan3A_3 = arith.constant 0 : i32
    %scan3A_4 = arith.constant 25 : i32
    %scan3A_5 = arith.addi %scan3A_3, %scan3A_4 : i32
    %scan3A_6 = arith.constant 1 : i32
    scf.for %scan3A_8 = %scan3A_3 to %scan3A_5 step %scan3A_6  : i32 {
      %mul3A_9 = arith.constant 400 : i32
      %mul3A_10 = arith.muli %scan3A_8, %mul3A_9 : i32
      %add3A_11 = arith.addi %mul3A_2, %mul3A_10 : i32
      "tpu.region"() ({
        %run_scoped3A = tpu.sem_alloc : memref<!tpu.dma_semaphore, #tpu.memory_space<semaphore_mem>>
        %dma_start3A_90 = tpu.memref_slice %arg3[%add3A_11] : memref<320000xi32, #tpu.memory_space<hbm>> -> memref<400xi32, #tpu.memory_space<hbm>>
        %dma_start3A_91 = tpu.memref_slice %arg3[%add3A_11] : memref<320000xi32, #tpu.memory_space<hbm>> -> memref<400xi32, #tpu.memory_space<hbm>>
        tpu.enqueue_dma source(%dma_start3A_91 : memref<400xi32, #tpu.memory_space<hbm>>) target(%arg5 : memref<400xi32, #tpu.memory_space<vmem>>) target_semaphore(%run_scoped3A : memref<!tpu.dma_semaphore, #tpu.memory_space<semaphore_mem>>)
        %dma_wait3A_92 = tpu.memref_slice %arg3[%add3A_11] : memref<320000xi32, #tpu.memory_space<hbm>> -> memref<400xi32, #tpu.memory_space<hbm>>
        %dma_wait3A_93 = tpu.memref_slice %arg3[%add3A_11] : memref<320000xi32, #tpu.memory_space<hbm>> -> memref<400xi32, #tpu.memory_space<hbm>>
        tpu.wait_dma2 semaphore(%run_scoped3A : memref<!tpu.dma_semaphore, #tpu.memory_space<semaphore_mem>>) src(%dma_wait3A_93 : memref<400xi32, #tpu.memory_space<hbm>>) dst(%arg5 : memref<400xi32, #tpu.memory_space<vmem>>)
        tpu.yield
      }) : () -> ()
      %dma_start3A = arith.constant 0 : i32
      %dma_start3A_12 = arith.constant 0 : i32
      %dma_start3A_13 = tpu.memref_slice %arg6[%dma_start3A, %dma_start3A_12] : memref<400x64xi32, #tpu.memory_space<vmem>> -> memref<80x64xi32, #tpu.memory_space<vmem>>
      %dma_start3A_14 = arith.constant 0 : i32
      %dma_start3A_15 = tpu.memref_slice %arg5[%dma_start3A_14] : memref<400xi32, #tpu.memory_space<vmem>> -> memref<80xi32, #tpu.memory_space<vmem>>
      %dma_start3A_16 = arith.constant 0 : i32
      %dma_start3A_17 = arith.constant 0 : i32
      %dma_start3A_18 = tpu.memref_slice %arg2[%dma_start3A_16, %dma_start3A_17] : memref<10000x64xi32, #tpu.memory_space<hbm>> -> memref<10000x64xi32, #tpu.memory_space<hbm>>
      tpu.enqueue_indirect_dma source(%dma_start3A_18 : memref<10000x64xi32, #tpu.memory_space<hbm>>) target(%dma_start3A_13 : memref<80x64xi32, #tpu.memory_space<vmem>>) offsets(%dma_start3A_15 : memref<80xi32, #tpu.memory_space<vmem>>) semaphore(%arg7 : memref<!tpu.dma_semaphore, #tpu.memory_space<semaphore_mem>>)
      %dma_start3A_19 = arith.constant 80 : i32
      %dma_start3A_20 = arith.constant 0 : i32
      %dma_start3A_21 = tpu.memref_slice %arg6[%dma_start3A_19, %dma_start3A_20] : memref<400x64xi32, #tpu.memory_space<vmem>> -> memref<80x64xi32, #tpu.memory_space<vmem>>
      %dma_start3A_22 = arith.constant 80 : i32
      %dma_start3A_23 = tpu.memref_slice %arg5[%dma_start3A_22] : memref<400xi32, #tpu.memory_space<vmem>> -> memref<80xi32, #tpu.memory_space<vmem>>
      %dma_start3A_24 = arith.constant 0 : i32
      %dma_start3A_25 = arith.constant 0 : i32
      %dma_start3A_26 = tpu.memref_slice %arg2[%dma_start3A_24, %dma_start3A_25] : memref<10000x64xi32, #tpu.memory_space<hbm>> -> memref<10000x64xi32, #tpu.memory_space<hbm>>
      tpu.enqueue_indirect_dma source(%dma_start3A_26 : memref<10000x64xi32, #tpu.memory_space<hbm>>) target(%dma_start3A_21 : memref<80x64xi32, #tpu.memory_space<vmem>>) offsets(%dma_start3A_23 : memref<80xi32, #tpu.memory_space<vmem>>) semaphore(%arg7 : memref<!tpu.dma_semaphore, #tpu.memory_space<semaphore_mem>>)
      %dma_start3A_27 = arith.constant 160 : i32
      %dma_start3A_28 = arith.constant 0 : i32
      %dma_start3A_29 = tpu.memref_slice %arg6[%dma_start3A_27, %dma_start3A_28] : memref<400x64xi32, #tpu.memory_space<vmem>> -> memref<80x64xi32, #tpu.memory_space<vmem>>
      %dma_start3A_30 = arith.constant 160 : i32
      %dma_start3A_31 = tpu.memref_slice %arg5[%dma_start3A_30] : memref<400xi32, #tpu.memory_space<vmem>> -> memref<80xi32, #tpu.memory_space<vmem>>
      %dma_start3A_32 = arith.constant 0 : i32
      %dma_start3A_33 = arith.constant 0 : i32
      %dma_start3A_34 = tpu.memref_slice %arg2[%dma_start3A_32, %dma_start3A_33] : memref<10000x64xi32, #tpu.memory_space<hbm>> -> memref<10000x64xi32, #tpu.memory_space<hbm>>
      tpu.enqueue_indirect_dma source(%dma_start3A_34 : memref<10000x64xi32, #tpu.memory_space<hbm>>) target(%dma_start3A_29 : memref<80x64xi32, #tpu.memory_space<vmem>>) offsets(%dma_start3A_31 : memref<80xi32, #tpu.memory_space<vmem>>) semaphore(%arg7 : memref<!tpu.dma_semaphore, #tpu.memory_space<semaphore_mem>>)
      %dma_start3A_35 = arith.constant 240 : i32
      %dma_start3A_36 = arith.constant 0 : i32
      %dma_start3A_37 = tpu.memref_slice %arg6[%dma_start3A_35, %dma_start3A_36] : memref<400x64xi32, #tpu.memory_space<vmem>> -> memref<80x64xi32, #tpu.memory_space<vmem>>
      %dma_start3A_38 = arith.constant 240 : i32
      %dma_start3A_39 = tpu.memref_slice %arg5[%dma_start3A_38] : memref<400xi32, #tpu.memory_space<vmem>> -> memref<80xi32, #tpu.memory_space<vmem>>
      %dma_start3A_40 = arith.constant 0 : i32
      %dma_start3A_41 = arith.constant 0 : i32
      %dma_start3A_42 = tpu.memref_slice %arg2[%dma_start3A_40, %dma_start3A_41] : memref<10000x64xi32, #tpu.memory_space<hbm>> -> memref<10000x64xi32, #tpu.memory_space<hbm>>
      tpu.enqueue_indirect_dma source(%dma_start3A_42 : memref<10000x64xi32, #tpu.memory_space<hbm>>) target(%dma_start3A_37 : memref<80x64xi32, #tpu.memory_space<vmem>>) offsets(%dma_start3A_39 : memref<80xi32, #tpu.memory_space<vmem>>) semaphore(%arg7 : memref<!tpu.dma_semaphore, #tpu.memory_space<semaphore_mem>>)
      %dma_start3A_43 = arith.constant 320 : i32
      %dma_start3A_44 = arith.constant 0 : i32
      %dma_start3A_45 = tpu.memref_slice %arg6[%dma_start3A_43, %dma_start3A_44] : memref<400x64xi32, #tpu.memory_space<vmem>> -> memref<80x64xi32, #tpu.memory_space<vmem>>
      %dma_start3A_46 = arith.constant 320 : i32
      %dma_start3A_47 = tpu.memref_slice %arg5[%dma_start3A_46] : memref<400xi32, #tpu.memory_space<vmem>> -> memref<80xi32, #tpu.memory_space<vmem>>
      %dma_start3A_48 = arith.constant 0 : i32
      %dma_start3A_49 = arith.constant 0 : i32
      %dma_start3A_50 = tpu.memref_slice %arg2[%dma_start3A_48, %dma_start3A_49] : memref<10000x64xi32, #tpu.memory_space<hbm>> -> memref<10000x64xi32, #tpu.memory_space<hbm>>
      tpu.enqueue_indirect_dma source(%dma_start3A_50 : memref<10000x64xi32, #tpu.memory_space<hbm>>) target(%dma_start3A_45 : memref<80x64xi32, #tpu.memory_space<vmem>>) offsets(%dma_start3A_47 : memref<80xi32, #tpu.memory_space<vmem>>) semaphore(%arg7 : memref<!tpu.dma_semaphore, #tpu.memory_space<semaphore_mem>>)
      %dma_wait3A = arith.constant 0 : i32
      %dma_wait3A_51 = arith.constant 0 : i32
      %dma_wait3A_52 = tpu.memref_slice %arg6[%dma_wait3A, %dma_wait3A_51] : memref<400x64xi32, #tpu.memory_space<vmem>> -> memref<80x64xi32, #tpu.memory_space<vmem>>
      %dma_wait3A_53 = arith.constant 0 : i32
      %dma_wait3A_54 = tpu.memref_slice %arg5[%dma_wait3A_53] : memref<400xi32, #tpu.memory_space<vmem>> -> memref<80xi32, #tpu.memory_space<vmem>>
      %dma_wait3A_55 = arith.constant 0 : i32
      %dma_wait3A_56 = arith.constant 0 : i32
      %dma_wait3A_57 = tpu.memref_slice %arg2[%dma_wait3A_55, %dma_wait3A_56] : memref<10000x64xi32, #tpu.memory_space<hbm>> -> memref<10000x64xi32, #tpu.memory_space<hbm>>
      tpu.wait_indirect_dma semaphore(%arg7 : memref<!tpu.dma_semaphore, #tpu.memory_space<semaphore_mem>>) src(%dma_wait3A_57 : memref<10000x64xi32, #tpu.memory_space<hbm>>) dst(%dma_wait3A_52 : memref<80x64xi32, #tpu.memory_space<vmem>>)
      %dma_wait3A_58 = arith.constant 80 : i32
      %dma_wait3A_59 = arith.constant 0 : i32
      %dma_wait3A_60 = tpu.memref_slice %arg6[%dma_wait3A_58, %dma_wait3A_59] : memref<400x64xi32, #tpu.memory_space<vmem>> -> memref<80x64xi32, #tpu.memory_space<vmem>>
      %dma_wait3A_61 = arith.constant 80 : i32
      %dma_wait3A_62 = tpu.memref_slice %arg5[%dma_wait3A_61] : memref<400xi32, #tpu.memory_space<vmem>> -> memref<80xi32, #tpu.memory_space<vmem>>
      %dma_wait3A_63 = arith.constant 0 : i32
      %dma_wait3A_64 = arith.constant 0 : i32
      %dma_wait3A_65 = tpu.memref_slice %arg2[%dma_wait3A_63, %dma_wait3A_64] : memref<10000x64xi32, #tpu.memory_space<hbm>> -> memref<10000x64xi32, #tpu.memory_space<hbm>>
      tpu.wait_indirect_dma semaphore(%arg7 : memref<!tpu.dma_semaphore, #tpu.memory_space<semaphore_mem>>) src(%dma_wait3A_65 : memref<10000x64xi32, #tpu.memory_space<hbm>>) dst(%dma_wait3A_60 : memref<80x64xi32, #tpu.memory_space<vmem>>)
      %dma_wait3A_66 = arith.constant 160 : i32
      %dma_wait3A_67 = arith.constant 0 : i32
      %dma_wait3A_68 = tpu.memref_slice %arg6[%dma_wait3A_66, %dma_wait3A_67] : memref<400x64xi32, #tpu.memory_space<vmem>> -> memref<80x64xi32, #tpu.memory_space<vmem>>
      %dma_wait3A_69 = arith.constant 160 : i32
      %dma_wait3A_70 = tpu.memref_slice %arg5[%dma_wait3A_69] : memref<400xi32, #tpu.memory_space<vmem>> -> memref<80xi32, #tpu.memory_space<vmem>>
      %dma_wait3A_71 = arith.constant 0 : i32
      %dma_wait3A_72 = arith.constant 0 : i32
      %dma_wait3A_73 = tpu.memref_slice %arg2[%dma_wait3A_71, %dma_wait3A_72] : memref<10000x64xi32, #tpu.memory_space<hbm>> -> memref<10000x64xi32, #tpu.memory_space<hbm>>
      tpu.wait_indirect_dma semaphore(%arg7 : memref<!tpu.dma_semaphore, #tpu.memory_space<semaphore_mem>>) src(%dma_wait3A_73 : memref<10000x64xi32, #tpu.memory_space<hbm>>) dst(%dma_wait3A_68 : memref<80x64xi32, #tpu.memory_space<vmem>>)
      %dma_wait3A_74 = arith.constant 240 : i32
      %dma_wait3A_75 = arith.constant 0 : i32
      %dma_wait3A_76 = tpu.memref_slice %arg6[%dma_wait3A_74, %dma_wait3A_75] : memref<400x64xi32, #tpu.memory_space<vmem>> -> memref<80x64xi32, #tpu.memory_space<vmem>>
      %dma_wait3A_77 = arith.constant 240 : i32
      %dma_wait3A_78 = tpu.memref_slice %arg5[%dma_wait3A_77] : memref<400xi32, #tpu.memory_space<vmem>> -> memref<80xi32, #tpu.memory_space<vmem>>
      %dma_wait3A_79 = arith.constant 0 : i32
      %dma_wait3A_80 = arith.constant 0 : i32
      %dma_wait3A_81 = tpu.memref_slice %arg2[%dma_wait3A_79, %dma_wait3A_80] : memref<10000x64xi32, #tpu.memory_space<hbm>> -> memref<10000x64xi32, #tpu.memory_space<hbm>>
      tpu.wait_indirect_dma semaphore(%arg7 : memref<!tpu.dma_semaphore, #tpu.memory_space<semaphore_mem>>) src(%dma_wait3A_81 : memref<10000x64xi32, #tpu.memory_space<hbm>>) dst(%dma_wait3A_76 : memref<80x64xi32, #tpu.memory_space<vmem>>)
      %dma_wait3A_82 = arith.constant 320 : i32
      %dma_wait3A_83 = arith.constant 0 : i32
      %dma_wait3A_84 = tpu.memref_slice %arg6[%dma_wait3A_82, %dma_wait3A_83] : memref<400x64xi32, #tpu.memory_space<vmem>> -> memref<80x64xi32, #tpu.memory_space<vmem>>
      %dma_wait3A_85 = arith.constant 320 : i32
      %dma_wait3A_86 = tpu.memref_slice %arg5[%dma_wait3A_85] : memref<400xi32, #tpu.memory_space<vmem>> -> memref<80xi32, #tpu.memory_space<vmem>>
      %dma_wait3A_87 = arith.constant 0 : i32
      %dma_wait3A_88 = arith.constant 0 : i32
      %dma_wait3A_89 = tpu.memref_slice %arg2[%dma_wait3A_87, %dma_wait3A_88] : memref<10000x64xi32, #tpu.memory_space<hbm>> -> memref<10000x64xi32, #tpu.memory_space<hbm>>
      tpu.wait_indirect_dma semaphore(%arg7 : memref<!tpu.dma_semaphore, #tpu.memory_space<semaphore_mem>>) src(%dma_wait3A_89 : memref<10000x64xi32, #tpu.memory_space<hbm>>) dst(%dma_wait3A_84 : memref<80x64xi32, #tpu.memory_space<vmem>>)
      "tpu.region"() ({
        %run_scoped3A = tpu.sem_alloc : memref<!tpu.dma_semaphore, #tpu.memory_space<semaphore_mem>>
        %dma_start3A_90 = arith.constant 0 : i32
        %dma_start3A_91 = tpu.memref_slice %arg4[%add3A_11, %dma_start3A_90] : memref<320000x64xi32, #tpu.memory_space<hbm>> -> memref<400x64xi32, #tpu.memory_space<hbm>>
        %dma_start3A_92 = arith.constant 0 : i32
        %dma_start3A_93 = tpu.memref_slice %arg4[%add3A_11, %dma_start3A_92] : memref<320000x64xi32, #tpu.memory_space<hbm>> -> memref<400x64xi32, #tpu.memory_space<hbm>>
        tpu.enqueue_dma source(%arg6 : memref<400x64xi32, #tpu.memory_space<vmem>>) target(%dma_start3A_93 : memref<400x64xi32, #tpu.memory_space<hbm>>) target_semaphore(%run_scoped3A : memref<!tpu.dma_semaphore, #tpu.memory_space<semaphore_mem>>)
        %dma_wait3A_94 = arith.constant 0 : i32
        %dma_wait3A_95 = tpu.memref_slice %arg4[%add3A_11, %dma_wait3A_94] : memref<320000x64xi32, #tpu.memory_space<hbm>> -> memref<400x64xi32, #tpu.memory_space<hbm>>
        %dma_wait3A_96 = arith.constant 0 : i32
        %dma_wait3A_97 = tpu.memref_slice %arg4[%add3A_11, %dma_wait3A_96] : memref<320000x64xi32, #tpu.memory_space<hbm>> -> memref<400x64xi32, #tpu.memory_space<hbm>>
        tpu.wait_dma2 semaphore(%run_scoped3A : memref<!tpu.dma_semaphore, #tpu.memory_space<semaphore_mem>>) src(%arg6 : memref<400x64xi32, #tpu.memory_space<vmem>>) dst(%dma_wait3A_97 : memref<400x64xi32, #tpu.memory_space<hbm>>)
        tpu.yield
      }) : () -> ()
    }
    %scan3A_7 = arith.constant 25 : i32
    return
  }
}

module attributes {stable_mosaic.version = 14 : i64} {
  func.func @_tc_body(%arg0: i32, %arg1: memref<6400x128xbf16, #tpu.memory_space<vmem>>, %arg2: memref<6400x64xbf16, #tpu.memory_space<vmem>>, %arg3: memref<6400x16xbf16, #tpu.memory_space<vmem>>, %arg4: memref<8x128x128xbf16, #tpu.memory_space<vmem>>, %arg5: memref<8x16x128xbf16, #tpu.memory_space<vmem>>, %arg6: memref<1x128xf32, #tpu.memory_space<vmem>>, %arg7: memref<200x128xf32, #tpu.memory_space<vmem>>, %arg8: memref<8x200x128xbf16, #tpu.memory_space<vmem>>, %arg9: memref<8x200x16xbf16, #tpu.memory_space<vmem>>) attributes {dimension_semantics = [#tpu.dimension_semantics<arbitrary>], iteration_bounds = array<i64: 50>, scalar_prefetch = 0 : i64, scratch_operands = 2 : i64, tpu.core_type = #tpu.core_type<tc>, window_params = [{transform_indices = @transform_0, window_bounds = array<i64: 6400, 128>}, {transform_indices = @transform_1, window_bounds = array<i64: 6400, 64>}, {transform_indices = @transform_2, window_bounds = array<i64: 6400, 16>}, {pipeline_mode = #tpu.pipeline_mode<synchronous>, transform_indices = @transform_3, window_bounds = array<i64: 8, 128, 128>}, {pipeline_mode = #tpu.pipeline_mode<synchronous>, transform_indices = @transform_4, window_bounds = array<i64: 8, 16, 128>}, {pipeline_mode = #tpu.pipeline_mode<synchronous>, transform_indices = @transform_5, window_bounds = array<i64: 1, 128>}, {transform_indices = @transform_6, window_bounds = array<i64: 200, 128>}]} {
    %iota3A = tpu.iota {dimensions = array<i32: 0>} : vector<256x64xi32>
    %jit3A = arith.constant 32 : i32
    %div3A = vector.broadcast %jit3A : i32 to vector<256x64xi32>
    %div3A_0 = arith.divsi %iota3A, %div3A : vector<256x64xi32>
    %sign3A = arith.constant 0 : i32
    %sign3A_1 = vector.broadcast %sign3A : i32 to vector<256x64xi32>
    %sign3A_2 = arith.cmpi sgt, %iota3A, %sign3A_1 : vector<256x64xi32>
    %sign3A_3 = arith.extui %sign3A_2 : vector<256x64xi1> to vector<256x64xi32>
    %sign3A_4 = arith.constant 0 : i32
    %sign3A_5 = vector.broadcast %sign3A_4 : i32 to vector<256x64xi32>
    %sign3A_6 = arith.cmpi slt, %iota3A, %sign3A_5 : vector<256x64xi32>
    %sign3A_7 = arith.extui %sign3A_6 : vector<256x64xi1> to vector<256x64xi32>
    %sign3A_8 = arith.subi %sign3A_3, %sign3A_7 : vector<256x64xi32>
    %sign3A_9 = arith.constant 0 : i32
    %sign3A_10 = arith.cmpi sgt, %jit3A, %sign3A_9 : i32
    %sign3A_11 = arith.extui %sign3A_10 : i1 to i32
    %sign3A_12 = arith.constant 0 : i32
    %sign3A_13 = arith.cmpi slt, %jit3A, %sign3A_12 : i32
    %sign3A_14 = arith.extui %sign3A_13 : i1 to i32
    %sign3A_15 = arith.subi %sign3A_11, %sign3A_14 : i32
    %ne3A = vector.broadcast %sign3A_15 : i32 to vector<256x64xi32>
    %ne3A_16 = arith.cmpi ne, %sign3A_8, %ne3A : vector<256x64xi32>
    %rem3A = vector.broadcast %jit3A : i32 to vector<256x64xi32>
    %rem3A_17 = arith.remsi %iota3A, %rem3A : vector<256x64xi32>
    %ne3A_18 = arith.constant 0 : i32
    %ne3A_19 = vector.broadcast %ne3A_18 : i32 to vector<256x64xi32>
    %ne3A_20 = arith.cmpi ne, %rem3A_17, %ne3A_19 : vector<256x64xi32>
    %and3A = arith.andi %ne3A_16, %ne3A_20 : vector<256x64xi1>
    %sub3A = arith.constant 1 : i32
    %sub3A_21 = vector.broadcast %sub3A : i32 to vector<256x64xi32>
    %sub3A_22 = arith.subi %div3A_0, %sub3A_21 : vector<256x64xi32>
    %select_n3A = arith.select %and3A, %sub3A_22, %div3A_0 : vector<256x64xi1>, vector<256x64xi32>
    %iota3A_23 = tpu.iota {dimensions = array<i32: 1>} : vector<256x64xi32>
    %jit3A_24 = arith.constant 8 : i32
    %eq3A = arith.constant 0 : i32
    %eq3A_25 = arith.cmpi eq, %jit3A_24, %eq3A : i32
    %jit3A_26 = arith.constant 1 : i32
    %select_n3A_27 = arith.select %eq3A_25, %jit3A_26, %jit3A_24 : i32
    %rem3A_28 = vector.broadcast %select_n3A_27 : i32 to vector<256x64xi32>
    %rem3A_29 = arith.remsi %iota3A_23, %rem3A_28 : vector<256x64xi32>
    %ne3A_30 = arith.constant 0 : i32
    %ne3A_31 = vector.broadcast %ne3A_30 : i32 to vector<256x64xi32>
    %ne3A_32 = arith.cmpi ne, %rem3A_29, %ne3A_31 : vector<256x64xi32>
    %lt3A = arith.constant 0 : i32
    %lt3A_33 = vector.broadcast %lt3A : i32 to vector<256x64xi32>
    %lt3A_34 = arith.cmpi slt, %rem3A_29, %lt3A_33 : vector<256x64xi32>
    %lt3A_35 = arith.constant 0 : i32
    %lt3A_36 = arith.cmpi slt, %select_n3A_27, %lt3A_35 : i32
    %ne3A_37 = vector.broadcast %lt3A_36 : i1 to vector<256x64xi1>
    %ne3A_38 = vector.broadcast %ne3A_37 : vector<256x64xi1> to vector<256x64xi1>
    %ne3A_39 = arith.xori %lt3A_34, %ne3A_38 : vector<256x64xi1>
    %and3A_40 = arith.andi %ne3A_39, %ne3A_32 : vector<256x64xi1>
    %add3A = vector.broadcast %select_n3A_27 : i32 to vector<256x64xi32>
    %add3A_41 = arith.addi %rem3A_29, %add3A : vector<256x64xi32>
    %select_n3A_42 = arith.select %and3A_40, %add3A_41, %rem3A_29 : vector<256x64xi1>, vector<256x64xi32>
    %eq3A_43 = arith.cmpi eq, %select_n3A, %select_n3A_42 : vector<256x64xi32>
    %get3A = arith.constant 0 : index
    %get3A_44 = arith.constant 0 : index
    %get3A_45 = vector.load %arg2[%get3A, %get3A_44] : memref<6400x64xbf16, #tpu.memory_space<vmem>>, vector<256x64xbf16>
    %jit3A_46 = arith.constant 0.000000e+00 : bf16
    %broadcast_in_dim3A = vector.broadcast %jit3A_46 : bf16 to vector<256x64xbf16>
    %select_n3A_47 = arith.select %eq3A_43, %get3A_45, %broadcast_in_dim3A : vector<256x64xi1>, vector<256x64xbf16>
    %get3A_48 = arith.constant 0 : index
    %get3A_49 = arith.constant 0 : index
    %get3A_50 = vector.load %arg1[%get3A_48, %get3A_49] : memref<6400x128xbf16, #tpu.memory_space<vmem>>, vector<256x128xbf16>
    %get3A_51 = arith.constant 0 : index
    %get3A_52 = arith.constant 0 : index
    %get3A_53 = vector.load %arg3[%get3A_51, %get3A_52] : memref<6400x16xbf16, #tpu.memory_space<vmem>>, vector<256x16xbf16>
    %dot_general3A = arith.constant dense<0.000000e+00> : vector<64x128xf32>
    %dot_general3A_54 = tpu.matmul %select_n3A_47, %get3A_50, %dot_general3A {dimension_numbers = #tpu.dot_dimension_numbers<[0], [0], [1], [1], [0, 1, 1, 1], [], []>, transpose_lhs_hint = false} : vector<256x64xbf16>, vector<256x128xbf16>, vector<64x128xf32> -> vector<64x128xf32>
    %dot_general3A_55 = arith.constant dense<0.000000e+00> : vector<64x16xf32>
    %dot_general3A_56 = tpu.matmul %select_n3A_47, %get3A_53, %dot_general3A_55 {dimension_numbers = #tpu.dot_dimension_numbers<[0], [0], [1], [1], [0, 1, 1, 1], [], []>, transpose_lhs_hint = false} : vector<256x64xbf16>, vector<256x16xbf16>, vector<64x16xf32> -> vector<64x16xf32>
    %convert_element_type3A = arith.truncf %dot_general3A_54 : vector<64x128xf32> to vector<64x128xbf16>
    %reshape3A = vector.shape_cast %convert_element_type3A : vector<64x128xbf16> to vector<8x8x128xbf16>
    %swap3A = arith.constant 0 : index
    %swap3A_57 = arith.constant 0 : index
    %swap3A_58 = arith.constant 0 : index
    %swap3A_59 = vector.load %arg8[%swap3A, %swap3A_57, %swap3A_58] : memref<8x200x128xbf16, #tpu.memory_space<vmem>>, vector<8x8x128xbf16>
    tpu.vector_store %arg8[%swap3A, %swap3A_57, %swap3A_58], %reshape3A {strides = array<i32>} : memref<8x200x128xbf16, #tpu.memory_space<vmem>>, vector<8x8x128xbf16>,
    %convert_element_type3A_60 = arith.truncf %dot_general3A_56 : vector<64x16xf32> to vector<64x16xbf16>
    %reshape3A_61 = vector.shape_cast %convert_element_type3A_60 : vector<64x16xbf16> to vector<8x8x16xbf16>
    %swap3A_62 = arith.constant 0 : index
    %swap3A_63 = arith.constant 0 : index
    %swap3A_64 = arith.constant 0 : index
    %swap3A_65 = vector.load %arg9[%swap3A_62, %swap3A_63, %swap3A_64] : memref<8x200x16xbf16, #tpu.memory_space<vmem>>, vector<8x8x16xbf16>
    tpu.vector_store %arg9[%swap3A_62, %swap3A_63, %swap3A_64], %reshape3A_61 {strides = array<i32>} : memref<8x200x16xbf16, #tpu.memory_space<vmem>>, vector<8x8x16xbf16>,
    %get3A_66 = arith.constant 256 : index
    %get3A_67 = arith.constant 0 : index
    %get3A_68 = vector.load %arg2[%get3A_66, %get3A_67] : memref<6400x64xbf16, #tpu.memory_space<vmem>>, vector<256x64xbf16>
    %jit3A_69 = arith.constant 0.000000e+00 : bf16
    %broadcast_in_dim3A_70 = vector.broadcast %jit3A_69 : bf16 to vector<256x64xbf16>
    %select_n3A_71 = arith.select %eq3A_43, %get3A_68, %broadcast_in_dim3A_70 : vector<256x64xi1>, vector<256x64xbf16>
    %get3A_72 = arith.constant 256 : index
    %get3A_73 = arith.constant 0 : index
    %get3A_74 = vector.load %arg1[%get3A_72, %get3A_73] : memref<6400x128xbf16, #tpu.memory_space<vmem>>, vector<256x128xbf16>
    %get3A_75 = arith.constant 256 : index
    %get3A_76 = arith.constant 0 : index
    %get3A_77 = vector.load %arg3[%get3A_75, %get3A_76] : memref<6400x16xbf16, #tpu.memory_space<vmem>>, vector<256x16xbf16>
    %dot_general3A_78 = arith.constant dense<0.000000e+00> : vector<64x128xf32>
    %dot_general3A_79 = tpu.matmul %select_n3A_71, %get3A_74, %dot_general3A_78 {dimension_numbers = #tpu.dot_dimension_numbers<[0], [0], [1], [1], [0, 1, 1, 1], [], []>, transpose_lhs_hint = false} : vector<256x64xbf16>, vector<256x128xbf16>, vector<64x128xf32> -> vector<64x128xf32>
    %dot_general3A_80 = arith.constant dense<0.000000e+00> : vector<64x16xf32>
    %dot_general3A_81 = tpu.matmul %select_n3A_71, %get3A_77, %dot_general3A_80 {dimension_numbers = #tpu.dot_dimension_numbers<[0], [0], [1], [1], [0, 1, 1, 1], [], []>, transpose_lhs_hint = false} : vector<256x64xbf16>, vector<256x16xbf16>, vector<64x16xf32> -> vector<64x16xf32>
    %convert_element_type3A_82 = arith.truncf %dot_general3A_79 : vector<64x128xf32> to vector<64x128xbf16>
    %reshape3A_83 = vector.shape_cast %convert_element_type3A_82 : vector<64x128xbf16> to vector<8x8x128xbf16>
    %swap3A_84 = arith.constant 0 : index
    %swap3A_85 = arith.constant 8 : index
    %swap3A_86 = arith.constant 0 : index
    %swap3A_87 = vector.load %arg8[%swap3A_84, %swap3A_85, %swap3A_86] : memref<8x200x128xbf16, #tpu.memory_space<vmem>>, vector<8x8x128xbf16>
    tpu.vector_store %arg8[%swap3A_84, %swap3A_85, %swap3A_86], %reshape3A_83 {strides = array<i32>} : memref<8x200x128xbf16, #tpu.memory_space<vmem>>, vector<8x8x128xbf16>,
    %convert_element_type3A_88 = arith.truncf %dot_general3A_81 : vector<64x16xf32> to vector<64x16xbf16>
    %reshape3A_89 = vector.shape_cast %convert_element_type3A_88 : vector<64x16xbf16> to vector<8x8x16xbf16>
    %swap3A_90 = arith.constant 0 : index
    %swap3A_91 = arith.constant 8 : index
    %swap3A_92 = arith.constant 0 : index
    %swap3A_93 = vector.load %arg9[%swap3A_90, %swap3A_91, %swap3A_92] : memref<8x200x16xbf16, #tpu.memory_space<vmem>>, vector<8x8x16xbf16>
    tpu.vector_store %arg9[%swap3A_90, %swap3A_91, %swap3A_92], %reshape3A_89 {strides = array<i32>} : memref<8x200x16xbf16, #tpu.memory_space<vmem>>, vector<8x8x16xbf16>,
    %get3A_94 = arith.constant 512 : index
    %get3A_95 = arith.constant 0 : index
    %get3A_96 = vector.load %arg2[%get3A_94, %get3A_95] : memref<6400x64xbf16, #tpu.memory_space<vmem>>, vector<256x64xbf16>
    %jit3A_97 = arith.constant 0.000000e+00 : bf16
    %broadcast_in_dim3A_98 = vector.broadcast %jit3A_97 : bf16 to vector<256x64xbf16>
    %select_n3A_99 = arith.select %eq3A_43, %get3A_96, %broadcast_in_dim3A_98 : vector<256x64xi1>, vector<256x64xbf16>
    %get3A_100 = arith.constant 512 : index
    %get3A_101 = arith.constant 0 : index
    %get3A_102 = vector.load %arg1[%get3A_100, %get3A_101] : memref<6400x128xbf16, #tpu.memory_space<vmem>>, vector<256x128xbf16>
    %get3A_103 = arith.constant 512 : index
    %get3A_104 = arith.constant 0 : index
    %get3A_105 = vector.load %arg3[%get3A_103, %get3A_104] : memref<6400x16xbf16, #tpu.memory_space<vmem>>, vector<256x16xbf16>
    %dot_general3A_106 = arith.constant dense<0.000000e+00> : vector<64x128xf32>
    %dot_general3A_107 = tpu.matmul %select_n3A_99, %get3A_102, %dot_general3A_106 {dimension_numbers = #tpu.dot_dimension_numbers<[0], [0], [1], [1], [0, 1, 1, 1], [], []>, transpose_lhs_hint = false} : vector<256x64xbf16>, vector<256x128xbf16>, vector<64x128xf32> -> vector<64x128xf32>
    %dot_general3A_108 = arith.constant dense<0.000000e+00> : vector<64x16xf32>
    %dot_general3A_109 = tpu.matmul %select_n3A_99, %get3A_105, %dot_general3A_108 {dimension_numbers = #tpu.dot_dimension_numbers<[0], [0], [1], [1], [0, 1, 1, 1], [], []>, transpose_lhs_hint = false} : vector<256x64xbf16>, vector<256x16xbf16>, vector<64x16xf32> -> vector<64x16xf32>
    %convert_element_type3A_110 = arith.truncf %dot_general3A_107 : vector<64x128xf32> to vector<64x128xbf16>
    %reshape3A_111 = vector.shape_cast %convert_element_type3A_110 : vector<64x128xbf16> to vector<8x8x128xbf16>
    %swap3A_112 = arith.constant 0 : index
    %swap3A_113 = arith.constant 16 : index
    %swap3A_114 = arith.constant 0 : index
    %swap3A_115 = vector.load %arg8[%swap3A_112, %swap3A_113, %swap3A_114] : memref<8x200x128xbf16, #tpu.memory_space<vmem>>, vector<8x8x128xbf16>
    tpu.vector_store %arg8[%swap3A_112, %swap3A_113, %swap3A_114], %reshape3A_111 {strides = array<i32>} : memref<8x200x128xbf16, #tpu.memory_space<vmem>>, vector<8x8x128xbf16>,
    %convert_element_type3A_116 = arith.truncf %dot_general3A_109 : vector<64x16xf32> to vector<64x16xbf16>
    %reshape3A_117 = vector.shape_cast %convert_element_type3A_116 : vector<64x16xbf16> to vector<8x8x16xbf16>
    %swap3A_118 = arith.constant 0 : index
    %swap3A_119 = arith.constant 16 : index
    %swap3A_120 = arith.constant 0 : index
    %swap3A_121 = vector.load %arg9[%swap3A_118, %swap3A_119, %swap3A_120] : memref<8x200x16xbf16, #tpu.memory_space<vmem>>, vector<8x8x16xbf16>
    tpu.vector_store %arg9[%swap3A_118, %swap3A_119, %swap3A_120], %reshape3A_117 {strides = array<i32>} : memref<8x200x16xbf16, #tpu.memory_space<vmem>>, vector<8x8x16xbf16>,
    %get3A_122 = arith.constant 768 : index
    %get3A_123 = arith.constant 0 : index
    %get3A_124 = vector.load %arg2[%get3A_122, %get3A_123] : memref<6400x64xbf16, #tpu.memory_space<vmem>>, vector<256x64xbf16>
    %jit3A_125 = arith.constant 0.000000e+00 : bf16
    %broadcast_in_dim3A_126 = vector.broadcast %jit3A_125 : bf16 to vector<256x64xbf16>
    %select_n3A_127 = arith.select %eq3A_43, %get3A_124, %broadcast_in_dim3A_126 : vector<256x64xi1>, vector<256x64xbf16>
    %get3A_128 = arith.constant 768 : index
    %get3A_129 = arith.constant 0 : index
    %get3A_130 = vector.load %arg1[%get3A_128, %get3A_129] : memref<6400x128xbf16, #tpu.memory_space<vmem>>, vector<256x128xbf16>
    %get3A_131 = arith.constant 768 : index
    %get3A_132 = arith.constant 0 : index
    %get3A_133 = vector.load %arg3[%get3A_131, %get3A_132] : memref<6400x16xbf16, #tpu.memory_space<vmem>>, vector<256x16xbf16>
    %dot_general3A_134 = arith.constant dense<0.000000e+00> : vector<64x128xf32>
    %dot_general3A_135 = tpu.matmul %select_n3A_127, %get3A_130, %dot_general3A_134 {dimension_numbers = #tpu.dot_dimension_numbers<[0], [0], [1], [1], [0, 1, 1, 1], [], []>, transpose_lhs_hint = false} : vector<256x64xbf16>, vector<256x128xbf16>, vector<64x128xf32> -> vector<64x128xf32>
    %dot_general3A_136 = arith.constant dense<0.000000e+00> : vector<64x16xf32>
    %dot_general3A_137 = tpu.matmul %select_n3A_127, %get3A_133, %dot_general3A_136 {dimension_numbers = #tpu.dot_dimension_numbers<[0], [0], [1], [1], [0, 1, 1, 1], [], []>, transpose_lhs_hint = false} : vector<256x64xbf16>, vector<256x16xbf16>, vector<64x16xf32> -> vector<64x16xf32>
    %convert_element_type3A_138 = arith.truncf %dot_general3A_135 : vector<64x128xf32> to vector<64x128xbf16>
    %reshape3A_139 = vector.shape_cast %convert_element_type3A_138 : vector<64x128xbf16> to vector<8x8x128xbf16>
    %swap3A_140 = arith.constant 0 : index
    %swap3A_141 = arith.constant 24 : index
    %swap3A_142 = arith.constant 0 : index
    %swap3A_143 = vector.load %arg8[%swap3A_140, %swap3A_141, %swap3A_142] : memref<8x200x128xbf16, #tpu.memory_space<vmem>>, vector<8x8x128xbf16>
    tpu.vector_store %arg8[%swap3A_140, %swap3A_141, %swap3A_142], %reshape3A_139 {strides = array<i32>} : memref<8x200x128xbf16, #tpu.memory_space<vmem>>, vector<8x8x128xbf16>,
    %convert_element_type3A_144 = arith.truncf %dot_general3A_137 : vector<64x16xf32> to vector<64x16xbf16>
    %reshape3A_145 = vector.shape_cast %convert_element_type3A_144 : vector<64x16xbf16> to vector<8x8x16xbf16>
    %swap3A_146 = arith.constant 0 : index
    %swap3A_147 = arith.constant 24 : index
    %swap3A_148 = arith.constant 0 : index
    %swap3A_149 = vector.load %arg9[%swap3A_146, %swap3A_147, %swap3A_148] : memref<8x200x16xbf16, #tpu.memory_space<vmem>>, vector<8x8x16xbf16>
    tpu.vector_store %arg9[%swap3A_146, %swap3A_147, %swap3A_148], %reshape3A_145 {strides = array<i32>} : memref<8x200x16xbf16, #tpu.memory_space<vmem>>, vector<8x8x16xbf16>,
    %get3A_150 = arith.constant 1024 : index
    %get3A_151 = arith.constant 0 : index
    %get3A_152 = vector.load %arg2[%get3A_150, %get3A_151] : memref<6400x64xbf16, #tpu.memory_space<vmem>>, vector<256x64xbf16>
    %jit3A_153 = arith.constant 0.000000e+00 : bf16
    %broadcast_in_dim3A_154 = vector.broadcast %jit3A_153 : bf16 to vector<256x64xbf16>
    %select_n3A_155 = arith.select %eq3A_43, %get3A_152, %broadcast_in_dim3A_154 : vector<256x64xi1>, vector<256x64xbf16>
    %get3A_156 = arith.constant 1024 : index
    %get3A_157 = arith.constant 0 : index
    %get3A_158 = vector.load %arg1[%get3A_156, %get3A_157] : memref<6400x128xbf16, #tpu.memory_space<vmem>>, vector<256x128xbf16>
    %get3A_159 = arith.constant 1024 : index
    %get3A_160 = arith.constant 0 : index
    %get3A_161 = vector.load %arg3[%get3A_159, %get3A_160] : memref<6400x16xbf16, #tpu.memory_space<vmem>>, vector<256x16xbf16>
    %dot_general3A_162 = arith.constant dense<0.000000e+00> : vector<64x128xf32>
    %dot_general3A_163 = tpu.matmul %select_n3A_155, %get3A_158, %dot_general3A_162 {dimension_numbers = #tpu.dot_dimension_numbers<[0], [0], [1], [1], [0, 1, 1, 1], [], []>, transpose_lhs_hint = false} : vector<256x64xbf16>, vector<256x128xbf16>, vector<64x128xf32> -> vector<64x128xf32>
    %dot_general3A_164 = arith.constant dense<0.000000e+00> : vector<64x16xf32>
    %dot_general3A_165 = tpu.matmul %select_n3A_155, %get3A_161, %dot_general3A_164 {dimension_numbers = #tpu.dot_dimension_numbers<[0], [0], [1], [1], [0, 1, 1, 1], [], []>, transpose_lhs_hint = false} : vector<256x64xbf16>, vector<256x16xbf16>, vector<64x16xf32> -> vector<64x16xf32>
    %convert_element_type3A_166 = arith.truncf %dot_general3A_163 : vector<64x128xf32> to vector<64x128xbf16>
    %reshape3A_167 = vector.shape_cast %convert_element_type3A_166 : vector<64x128xbf16> to vector<8x8x128xbf16>
    %swap3A_168 = arith.constant 0 : index
    %swap3A_169 = arith.constant 32 : index
    %swap3A_170 = arith.constant 0 : index
    %swap3A_171 = vector.load %arg8[%swap3A_168, %swap3A_169, %swap3A_170] : memref<8x200x128xbf16, #tpu.memory_space<vmem>>, vector<8x8x128xbf16>
    tpu.vector_store %arg8[%swap3A_168, %swap3A_169, %swap3A_170], %reshape3A_167 {strides = array<i32>} : memref<8x200x128xbf16, #tpu.memory_space<vmem>>, vector<8x8x128xbf16>,
    %convert_element_type3A_172 = arith.truncf %dot_general3A_165 : vector<64x16xf32> to vector<64x16xbf16>
    %reshape3A_173 = vector.shape_cast %convert_element_type3A_172 : vector<64x16xbf16> to vector<8x8x16xbf16>
    %swap3A_174 = arith.constant 0 : index
    %swap3A_175 = arith.constant 32 : index
    %swap3A_176 = arith.constant 0 : index
    %swap3A_177 = vector.load %arg9[%swap3A_174, %swap3A_175, %swap3A_176] : memref<8x200x16xbf16, #tpu.memory_space<vmem>>, vector<8x8x16xbf16>
    tpu.vector_store %arg9[%swap3A_174, %swap3A_175, %swap3A_176], %reshape3A_173 {strides = array<i32>} : memref<8x200x16xbf16, #tpu.memory_space<vmem>>, vector<8x8x16xbf16>,
    %get3A_178 = arith.constant 1280 : index
    %get3A_179 = arith.constant 0 : index
    %get3A_180 = vector.load %arg2[%get3A_178, %get3A_179] : memref<6400x64xbf16, #tpu.memory_space<vmem>>, vector<256x64xbf16>
    %jit3A_181 = arith.constant 0.000000e+00 : bf16
    %broadcast_in_dim3A_182 = vector.broadcast %jit3A_181 : bf16 to vector<256x64xbf16>
    %select_n3A_183 = arith.select %eq3A_43, %get3A_180, %broadcast_in_dim3A_182 : vector<256x64xi1>, vector<256x64xbf16>
    %get3A_184 = arith.constant 1280 : index
    %get3A_185 = arith.constant 0 : index
    %get3A_186 = vector.load %arg1[%get3A_184, %get3A_185] : memref<6400x128xbf16, #tpu.memory_space<vmem>>, vector<256x128xbf16>
    %get3A_187 = arith.constant 1280 : index
    %get3A_188 = arith.constant 0 : index
    %get3A_189 = vector.load %arg3[%get3A_187, %get3A_188] : memref<6400x16xbf16, #tpu.memory_space<vmem>>, vector<256x16xbf16>
    %dot_general3A_190 = arith.constant dense<0.000000e+00> : vector<64x128xf32>
    %dot_general3A_191 = tpu.matmul %select_n3A_183, %get3A_186, %dot_general3A_190 {dimension_numbers = #tpu.dot_dimension_numbers<[0], [0], [1], [1], [0, 1, 1, 1], [], []>, transpose_lhs_hint = false} : vector<256x64xbf16>, vector<256x128xbf16>, vector<64x128xf32> -> vector<64x128xf32>
    %dot_general3A_192 = arith.constant dense<0.000000e+00> : vector<64x16xf32>
    %dot_general3A_193 = tpu.matmul %select_n3A_183, %get3A_189, %dot_general3A_192 {dimension_numbers = #tpu.dot_dimension_numbers<[0], [0], [1], [1], [0, 1, 1, 1], [], []>, transpose_lhs_hint = false} : vector<256x64xbf16>, vector<256x16xbf16>, vector<64x16xf32> -> vector<64x16xf32>
    %convert_element_type3A_194 = arith.truncf %dot_general3A_191 : vector<64x128xf32> to vector<64x128xbf16>
    %reshape3A_195 = vector.shape_cast %convert_element_type3A_194 : vector<64x128xbf16> to vector<8x8x128xbf16>
    %swap3A_196 = arith.constant 0 : index
    %swap3A_197 = arith.constant 40 : index
    %swap3A_198 = arith.constant 0 : index
    %swap3A_199 = vector.load %arg8[%swap3A_196, %swap3A_197, %swap3A_198] : memref<8x200x128xbf16, #tpu.memory_space<vmem>>, vector<8x8x128xbf16>
    tpu.vector_store %arg8[%swap3A_196, %swap3A_197, %swap3A_198], %reshape3A_195 {strides = array<i32>} : memref<8x200x128xbf16, #tpu.memory_space<vmem>>, vector<8x8x128xbf16>,
    %convert_element_type3A_200 = arith.truncf %dot_general3A_193 : vector<64x16xf32> to vector<64x16xbf16>
    %reshape3A_201 = vector.shape_cast %convert_element_type3A_200 : vector<64x16xbf16> to vector<8x8x16xbf16>
    %swap3A_202 = arith.constant 0 : index
    %swap3A_203 = arith.constant 40 : index
    %swap3A_204 = arith.constant 0 : index
    %swap3A_205 = vector.load %arg9[%swap3A_202, %swap3A_203, %swap3A_204] : memref<8x200x16xbf16, #tpu.memory_space<vmem>>, vector<8x8x16xbf16>
    tpu.vector_store %arg9[%swap3A_202, %swap3A_203, %swap3A_204], %reshape3A_201 {strides = array<i32>} : memref<8x200x16xbf16, #tpu.memory_space<vmem>>, vector<8x8x16xbf16>,
    %get3A_206 = arith.constant 1536 : index
    %get3A_207 = arith.constant 0 : index
    %get3A_208 = vector.load %arg2[%get3A_206, %get3A_207] : memref<6400x64xbf16, #tpu.memory_space<vmem>>, vector<256x64xbf16>
    %jit3A_209 = arith.constant 0.000000e+00 : bf16
    %broadcast_in_dim3A_210 = vector.broadcast %jit3A_209 : bf16 to vector<256x64xbf16>
    %select_n3A_211 = arith.select %eq3A_43, %get3A_208, %broadcast_in_dim3A_210 : vector<256x64xi1>, vector<256x64xbf16>
    %get3A_212 = arith.constant 1536 : index
    %get3A_213 = arith.constant 0 : index
    %get3A_214 = vector.load %arg1[%get3A_212, %get3A_213] : memref<6400x128xbf16, #tpu.memory_space<vmem>>, vector<256x128xbf16>
    %get3A_215 = arith.constant 1536 : index
    %get3A_216 = arith.constant 0 : index
    %get3A_217 = vector.load %arg3[%get3A_215, %get3A_216] : memref<6400x16xbf16, #tpu.memory_space<vmem>>, vector<256x16xbf16>
    %dot_general3A_218 = arith.constant dense<0.000000e+00> : vector<64x128xf32>
    %dot_general3A_219 = tpu.matmul %select_n3A_211, %get3A_214, %dot_general3A_218 {dimension_numbers = #tpu.dot_dimension_numbers<[0], [0], [1], [1], [0, 1, 1, 1], [], []>, transpose_lhs_hint = false} : vector<256x64xbf16>, vector<256x128xbf16>, vector<64x128xf32> -> vector<64x128xf32>
    %dot_general3A_220 = arith.constant dense<0.000000e+00> : vector<64x16xf32>
    %dot_general3A_221 = tpu.matmul %select_n3A_211, %get3A_217, %dot_general3A_220 {dimension_numbers = #tpu.dot_dimension_numbers<[0], [0], [1], [1], [0, 1, 1, 1], [], []>, transpose_lhs_hint = false} : vector<256x64xbf16>, vector<256x16xbf16>, vector<64x16xf32> -> vector<64x16xf32>
    %convert_element_type3A_222 = arith.truncf %dot_general3A_219 : vector<64x128xf32> to vector<64x128xbf16>
    %reshape3A_223 = vector.shape_cast %convert_element_type3A_222 : vector<64x128xbf16> to vector<8x8x128xbf16>
    %swap3A_224 = arith.constant 0 : index
    %swap3A_225 = arith.constant 48 : index
    %swap3A_226 = arith.constant 0 : index
    %swap3A_227 = vector.load %arg8[%swap3A_224, %swap3A_225, %swap3A_226] : memref<8x200x128xbf16, #tpu.memory_space<vmem>>, vector<8x8x128xbf16>
    tpu.vector_store %arg8[%swap3A_224, %swap3A_225, %swap3A_226], %reshape3A_223 {strides = array<i32>} : memref<8x200x128xbf16, #tpu.memory_space<vmem>>, vector<8x8x128xbf16>,
    %convert_element_type3A_228 = arith.truncf %dot_general3A_221 : vector<64x16xf32> to vector<64x16xbf16>
    %reshape3A_229 = vector.shape_cast %convert_element_type3A_228 : vector<64x16xbf16> to vector<8x8x16xbf16>
    %swap3A_230 = arith.constant 0 : index
    %swap3A_231 = arith.constant 48 : index
    %swap3A_232 = arith.constant 0 : index
    %swap3A_233 = vector.load %arg9[%swap3A_230, %swap3A_231, %swap3A_232] : memref<8x200x16xbf16, #tpu.memory_space<vmem>>, vector<8x8x16xbf16>
    tpu.vector_store %arg9[%swap3A_230, %swap3A_231, %swap3A_232], %reshape3A_229 {strides = array<i32>} : memref<8x200x16xbf16, #tpu.memory_space<vmem>>, vector<8x8x16xbf16>,
    %get3A_234 = arith.constant 1792 : index
    %get3A_235 = arith.constant 0 : index
    %get3A_236 = vector.load %arg2[%get3A_234, %get3A_235] : memref<6400x64xbf16, #tpu.memory_space<vmem>>, vector<256x64xbf16>
    %jit3A_237 = arith.constant 0.000000e+00 : bf16
    %broadcast_in_dim3A_238 = vector.broadcast %jit3A_237 : bf16 to vector<256x64xbf16>
    %select_n3A_239 = arith.select %eq3A_43, %get3A_236, %broadcast_in_dim3A_238 : vector<256x64xi1>, vector<256x64xbf16>
    %get3A_240 = arith.constant 1792 : index
    %get3A_241 = arith.constant 0 : index
    %get3A_242 = vector.load %arg1[%get3A_240, %get3A_241] : memref<6400x128xbf16, #tpu.memory_space<vmem>>, vector<256x128xbf16>
    %get3A_243 = arith.constant 1792 : index
    %get3A_244 = arith.constant 0 : index
    %get3A_245 = vector.load %arg3[%get3A_243, %get3A_244] : memref<6400x16xbf16, #tpu.memory_space<vmem>>, vector<256x16xbf16>
    %dot_general3A_246 = arith.constant dense<0.000000e+00> : vector<64x128xf32>
    %dot_general3A_247 = tpu.matmul %select_n3A_239, %get3A_242, %dot_general3A_246 {dimension_numbers = #tpu.dot_dimension_numbers<[0], [0], [1], [1], [0, 1, 1, 1], [], []>, transpose_lhs_hint = false} : vector<256x64xbf16>, vector<256x128xbf16>, vector<64x128xf32> -> vector<64x128xf32>
    %dot_general3A_248 = arith.constant dense<0.000000e+00> : vector<64x16xf32>
    %dot_general3A_249 = tpu.matmul %select_n3A_239, %get3A_245, %dot_general3A_248 {dimension_numbers = #tpu.dot_dimension_numbers<[0], [0], [1], [1], [0, 1, 1, 1], [], []>, transpose_lhs_hint = false} : vector<256x64xbf16>, vector<256x16xbf16>, vector<64x16xf32> -> vector<64x16xf32>
    %convert_element_type3A_250 = arith.truncf %dot_general3A_247 : vector<64x128xf32> to vector<64x128xbf16>
    %reshape3A_251 = vector.shape_cast %convert_element_type3A_250 : vector<64x128xbf16> to vector<8x8x128xbf16>
    %swap3A_252 = arith.constant 0 : index
    %swap3A_253 = arith.constant 56 : index
    %swap3A_254 = arith.constant 0 : index
    %swap3A_255 = vector.load %arg8[%swap3A_252, %swap3A_253, %swap3A_254] : memref<8x200x128xbf16, #tpu.memory_space<vmem>>, vector<8x8x128xbf16>
    tpu.vector_store %arg8[%swap3A_252, %swap3A_253, %swap3A_254], %reshape3A_251 {strides = array<i32>} : memref<8x200x128xbf16, #tpu.memory_space<vmem>>, vector<8x8x128xbf16>,
    %convert_element_type3A_256 = arith.truncf %dot_general3A_249 : vector<64x16xf32> to vector<64x16xbf16>
    %reshape3A_257 = vector.shape_cast %convert_element_type3A_256 : vector<64x16xbf16> to vector<8x8x16xbf16>
    %swap3A_258 = arith.constant 0 : index
    %swap3A_259 = arith.constant 56 : index
    %swap3A_260 = arith.constant 0 : index
    %swap3A_261 = vector.load %arg9[%swap3A_258, %swap3A_259, %swap3A_260] : memref<8x200x16xbf16, #tpu.memory_space<vmem>>, vector<8x8x16xbf16>
    tpu.vector_store %arg9[%swap3A_258, %swap3A_259, %swap3A_260], %reshape3A_257 {strides = array<i32>} : memref<8x200x16xbf16, #tpu.memory_space<vmem>>, vector<8x8x16xbf16>,
    %get3A_262 = arith.constant 2048 : index
    %get3A_263 = arith.constant 0 : index
    %get3A_264 = vector.load %arg2[%get3A_262, %get3A_263] : memref<6400x64xbf16, #tpu.memory_space<vmem>>, vector<256x64xbf16>
    %jit3A_265 = arith.constant 0.000000e+00 : bf16
    %broadcast_in_dim3A_266 = vector.broadcast %jit3A_265 : bf16 to vector<256x64xbf16>
    %select_n3A_267 = arith.select %eq3A_43, %get3A_264, %broadcast_in_dim3A_266 : vector<256x64xi1>, vector<256x64xbf16>
    %get3A_268 = arith.constant 2048 : index
    %get3A_269 = arith.constant 0 : index
    %get3A_270 = vector.load %arg1[%get3A_268, %get3A_269] : memref<6400x128xbf16, #tpu.memory_space<vmem>>, vector<256x128xbf16>
    %get3A_271 = arith.constant 2048 : index
    %get3A_272 = arith.constant 0 : index
    %get3A_273 = vector.load %arg3[%get3A_271, %get3A_272] : memref<6400x16xbf16, #tpu.memory_space<vmem>>, vector<256x16xbf16>
    %dot_general3A_274 = arith.constant dense<0.000000e+00> : vector<64x128xf32>
    %dot_general3A_275 = tpu.matmul %select_n3A_267, %get3A_270, %dot_general3A_274 {dimension_numbers = #tpu.dot_dimension_numbers<[0], [0], [1], [1], [0, 1, 1, 1], [], []>, transpose_lhs_hint = false} : vector<256x64xbf16>, vector<256x128xbf16>, vector<64x128xf32> -> vector<64x128xf32>
    %dot_general3A_276 = arith.constant dense<0.000000e+00> : vector<64x16xf32>
    %dot_general3A_277 = tpu.matmul %select_n3A_267, %get3A_273, %dot_general3A_276 {dimension_numbers = #tpu.dot_dimension_numbers<[0], [0], [1], [1], [0, 1, 1, 1], [], []>, transpose_lhs_hint = false} : vector<256x64xbf16>, vector<256x16xbf16>, vector<64x16xf32> -> vector<64x16xf32>
    %convert_element_type3A_278 = arith.truncf %dot_general3A_275 : vector<64x128xf32> to vector<64x128xbf16>
    %reshape3A_279 = vector.shape_cast %convert_element_type3A_278 : vector<64x128xbf16> to vector<8x8x128xbf16>
    %swap3A_280 = arith.constant 0 : index
    %swap3A_281 = arith.constant 64 : index
    %swap3A_282 = arith.constant 0 : index
    %swap3A_283 = vector.load %arg8[%swap3A_280, %swap3A_281, %swap3A_282] : memref<8x200x128xbf16, #tpu.memory_space<vmem>>, vector<8x8x128xbf16>
    tpu.vector_store %arg8[%swap3A_280, %swap3A_281, %swap3A_282], %reshape3A_279 {strides = array<i32>} : memref<8x200x128xbf16, #tpu.memory_space<vmem>>, vector<8x8x128xbf16>,
    %convert_element_type3A_284 = arith.truncf %dot_general3A_277 : vector<64x16xf32> to vector<64x16xbf16>
    %reshape3A_285 = vector.shape_cast %convert_element_type3A_284 : vector<64x16xbf16> to vector<8x8x16xbf16>
    %swap3A_286 = arith.constant 0 : index
    %swap3A_287 = arith.constant 64 : index
    %swap3A_288 = arith.constant 0 : index
    %swap3A_289 = vector.load %arg9[%swap3A_286, %swap3A_287, %swap3A_288] : memref<8x200x16xbf16, #tpu.memory_space<vmem>>, vector<8x8x16xbf16>
    tpu.vector_store %arg9[%swap3A_286, %swap3A_287, %swap3A_288], %reshape3A_285 {strides = array<i32>} : memref<8x200x16xbf16, #tpu.memory_space<vmem>>, vector<8x8x16xbf16>,
    %get3A_290 = arith.constant 2304 : index
    %get3A_291 = arith.constant 0 : index
    %get3A_292 = vector.load %arg2[%get3A_290, %get3A_291] : memref<6400x64xbf16, #tpu.memory_space<vmem>>, vector<256x64xbf16>
    %jit3A_293 = arith.constant 0.000000e+00 : bf16
    %broadcast_in_dim3A_294 = vector.broadcast %jit3A_293 : bf16 to vector<256x64xbf16>
    %select_n3A_295 = arith.select %eq3A_43, %get3A_292, %broadcast_in_dim3A_294 : vector<256x64xi1>, vector<256x64xbf16>
    %get3A_296 = arith.constant 2304 : index
    %get3A_297 = arith.constant 0 : index
    %get3A_298 = vector.load %arg1[%get3A_296, %get3A_297] : memref<6400x128xbf16, #tpu.memory_space<vmem>>, vector<256x128xbf16>
    %get3A_299 = arith.constant 2304 : index
    %get3A_300 = arith.constant 0 : index
    %get3A_301 = vector.load %arg3[%get3A_299, %get3A_300] : memref<6400x16xbf16, #tpu.memory_space<vmem>>, vector<256x16xbf16>
    %dot_general3A_302 = arith.constant dense<0.000000e+00> : vector<64x128xf32>
    %dot_general3A_303 = tpu.matmul %select_n3A_295, %get3A_298, %dot_general3A_302 {dimension_numbers = #tpu.dot_dimension_numbers<[0], [0], [1], [1], [0, 1, 1, 1], [], []>, transpose_lhs_hint = false} : vector<256x64xbf16>, vector<256x128xbf16>, vector<64x128xf32> -> vector<64x128xf32>
    %dot_general3A_304 = arith.constant dense<0.000000e+00> : vector<64x16xf32>
    %dot_general3A_305 = tpu.matmul %select_n3A_295, %get3A_301, %dot_general3A_304 {dimension_numbers = #tpu.dot_dimension_numbers<[0], [0], [1], [1], [0, 1, 1, 1], [], []>, transpose_lhs_hint = false} : vector<256x64xbf16>, vector<256x16xbf16>, vector<64x16xf32> -> vector<64x16xf32>
    %convert_element_type3A_306 = arith.truncf %dot_general3A_303 : vector<64x128xf32> to vector<64x128xbf16>
    %reshape3A_307 = vector.shape_cast %convert_element_type3A_306 : vector<64x128xbf16> to vector<8x8x128xbf16>
    %swap3A_308 = arith.constant 0 : index
    %swap3A_309 = arith.constant 72 : index
    %swap3A_310 = arith.constant 0 : index
    %swap3A_311 = vector.load %arg8[%swap3A_308, %swap3A_309, %swap3A_310] : memref<8x200x128xbf16, #tpu.memory_space<vmem>>, vector<8x8x128xbf16>
    tpu.vector_store %arg8[%swap3A_308, %swap3A_309, %swap3A_310], %reshape3A_307 {strides = array<i32>} : memref<8x200x128xbf16, #tpu.memory_space<vmem>>, vector<8x8x128xbf16>,
    %convert_element_type3A_312 = arith.truncf %dot_general3A_305 : vector<64x16xf32> to vector<64x16xbf16>
    %reshape3A_313 = vector.shape_cast %convert_element_type3A_312 : vector<64x16xbf16> to vector<8x8x16xbf16>
    %swap3A_314 = arith.constant 0 : index
    %swap3A_315 = arith.constant 72 : index
    %swap3A_316 = arith.constant 0 : index
    %swap3A_317 = vector.load %arg9[%swap3A_314, %swap3A_315, %swap3A_316] : memref<8x200x16xbf16, #tpu.memory_space<vmem>>, vector<8x8x16xbf16>
    tpu.vector_store %arg9[%swap3A_314, %swap3A_315, %swap3A_316], %reshape3A_313 {strides = array<i32>} : memref<8x200x16xbf16, #tpu.memory_space<vmem>>, vector<8x8x16xbf16>,
    %get3A_318 = arith.constant 2560 : index
    %get3A_319 = arith.constant 0 : index
    %get3A_320 = vector.load %arg2[%get3A_318, %get3A_319] : memref<6400x64xbf16, #tpu.memory_space<vmem>>, vector<256x64xbf16>
    %jit3A_321 = arith.constant 0.000000e+00 : bf16
    %broadcast_in_dim3A_322 = vector.broadcast %jit3A_321 : bf16 to vector<256x64xbf16>
    %select_n3A_323 = arith.select %eq3A_43, %get3A_320, %broadcast_in_dim3A_322 : vector<256x64xi1>, vector<256x64xbf16>
    %get3A_324 = arith.constant 2560 : index
    %get3A_325 = arith.constant 0 : index
    %get3A_326 = vector.load %arg1[%get3A_324, %get3A_325] : memref<6400x128xbf16, #tpu.memory_space<vmem>>, vector<256x128xbf16>
    %get3A_327 = arith.constant 2560 : index
    %get3A_328 = arith.constant 0 : index
    %get3A_329 = vector.load %arg3[%get3A_327, %get3A_328] : memref<6400x16xbf16, #tpu.memory_space<vmem>>, vector<256x16xbf16>
    %dot_general3A_330 = arith.constant dense<0.000000e+00> : vector<64x128xf32>
    %dot_general3A_331 = tpu.matmul %select_n3A_323, %get3A_326, %dot_general3A_330 {dimension_numbers = #tpu.dot_dimension_numbers<[0], [0], [1], [1], [0, 1, 1, 1], [], []>, transpose_lhs_hint = false} : vector<256x64xbf16>, vector<256x128xbf16>, vector<64x128xf32> -> vector<64x128xf32>
    %dot_general3A_332 = arith.constant dense<0.000000e+00> : vector<64x16xf32>
    %dot_general3A_333 = tpu.matmul %select_n3A_323, %get3A_329, %dot_general3A_332 {dimension_numbers = #tpu.dot_dimension_numbers<[0], [0], [1], [1], [0, 1, 1, 1], [], []>, transpose_lhs_hint = false} : vector<256x64xbf16>, vector<256x16xbf16>, vector<64x16xf32> -> vector<64x16xf32>
    %convert_element_type3A_334 = arith.truncf %dot_general3A_331 : vector<64x128xf32> to vector<64x128xbf16>
    %reshape3A_335 = vector.shape_cast %convert_element_type3A_334 : vector<64x128xbf16> to vector<8x8x128xbf16>
    %swap3A_336 = arith.constant 0 : index
    %swap3A_337 = arith.constant 80 : index
    %swap3A_338 = arith.constant 0 : index
    %swap3A_339 = vector.load %arg8[%swap3A_336, %swap3A_337, %swap3A_338] : memref<8x200x128xbf16, #tpu.memory_space<vmem>>, vector<8x8x128xbf16>
    tpu.vector_store %arg8[%swap3A_336, %swap3A_337, %swap3A_338], %reshape3A_335 {strides = array<i32>} : memref<8x200x128xbf16, #tpu.memory_space<vmem>>, vector<8x8x128xbf16>,
    %convert_element_type3A_340 = arith.truncf %dot_general3A_333 : vector<64x16xf32> to vector<64x16xbf16>
    %reshape3A_341 = vector.shape_cast %convert_element_type3A_340 : vector<64x16xbf16> to vector<8x8x16xbf16>
    %swap3A_342 = arith.constant 0 : index
    %swap3A_343 = arith.constant 80 : index
    %swap3A_344 = arith.constant 0 : index
    %swap3A_345 = vector.load %arg9[%swap3A_342, %swap3A_343, %swap3A_344] : memref<8x200x16xbf16, #tpu.memory_space<vmem>>, vector<8x8x16xbf16>
    tpu.vector_store %arg9[%swap3A_342, %swap3A_343, %swap3A_344], %reshape3A_341 {strides = array<i32>} : memref<8x200x16xbf16, #tpu.memory_space<vmem>>, vector<8x8x16xbf16>,
    %get3A_346 = arith.constant 2816 : index
    %get3A_347 = arith.constant 0 : index
    %get3A_348 = vector.load %arg2[%get3A_346, %get3A_347] : memref<6400x64xbf16, #tpu.memory_space<vmem>>, vector<256x64xbf16>
    %jit3A_349 = arith.constant 0.000000e+00 : bf16
    %broadcast_in_dim3A_350 = vector.broadcast %jit3A_349 : bf16 to vector<256x64xbf16>
    %select_n3A_351 = arith.select %eq3A_43, %get3A_348, %broadcast_in_dim3A_350 : vector<256x64xi1>, vector<256x64xbf16>
    %get3A_352 = arith.constant 2816 : index
    %get3A_353 = arith.constant 0 : index
    %get3A_354 = vector.load %arg1[%get3A_352, %get3A_353] : memref<6400x128xbf16, #tpu.memory_space<vmem>>, vector<256x128xbf16>
    %get3A_355 = arith.constant 2816 : index
    %get3A_356 = arith.constant 0 : index
    %get3A_357 = vector.load %arg3[%get3A_355, %get3A_356] : memref<6400x16xbf16, #tpu.memory_space<vmem>>, vector<256x16xbf16>
    %dot_general3A_358 = arith.constant dense<0.000000e+00> : vector<64x128xf32>
    %dot_general3A_359 = tpu.matmul %select_n3A_351, %get3A_354, %dot_general3A_358 {dimension_numbers = #tpu.dot_dimension_numbers<[0], [0], [1], [1], [0, 1, 1, 1], [], []>, transpose_lhs_hint = false} : vector<256x64xbf16>, vector<256x128xbf16>, vector<64x128xf32> -> vector<64x128xf32>
    %dot_general3A_360 = arith.constant dense<0.000000e+00> : vector<64x16xf32>
    %dot_general3A_361 = tpu.matmul %select_n3A_351, %get3A_357, %dot_general3A_360 {dimension_numbers = #tpu.dot_dimension_numbers<[0], [0], [1], [1], [0, 1, 1, 1], [], []>, transpose_lhs_hint = false} : vector<256x64xbf16>, vector<256x16xbf16>, vector<64x16xf32> -> vector<64x16xf32>
    %convert_element_type3A_362 = arith.truncf %dot_general3A_359 : vector<64x128xf32> to vector<64x128xbf16>
    %reshape3A_363 = vector.shape_cast %convert_element_type3A_362 : vector<64x128xbf16> to vector<8x8x128xbf16>
    %swap3A_364 = arith.constant 0 : index
    %swap3A_365 = arith.constant 88 : index
    %swap3A_366 = arith.constant 0 : index
    %swap3A_367 = vector.load %arg8[%swap3A_364, %swap3A_365, %swap3A_366] : memref<8x200x128xbf16, #tpu.memory_space<vmem>>, vector<8x8x128xbf16>
    tpu.vector_store %arg8[%swap3A_364, %swap3A_365, %swap3A_366], %reshape3A_363 {strides = array<i32>} : memref<8x200x128xbf16, #tpu.memory_space<vmem>>, vector<8x8x128xbf16>,
    %convert_element_type3A_368 = arith.truncf %dot_general3A_361 : vector<64x16xf32> to vector<64x16xbf16>
    %reshape3A_369 = vector.shape_cast %convert_element_type3A_368 : vector<64x16xbf16> to vector<8x8x16xbf16>
    %swap3A_370 = arith.constant 0 : index
    %swap3A_371 = arith.constant 88 : index
    %swap3A_372 = arith.constant 0 : index
    %swap3A_373 = vector.load %arg9[%swap3A_370, %swap3A_371, %swap3A_372] : memref<8x200x16xbf16, #tpu.memory_space<vmem>>, vector<8x8x16xbf16>
    tpu.vector_store %arg9[%swap3A_370, %swap3A_371, %swap3A_372], %reshape3A_369 {strides = array<i32>} : memref<8x200x16xbf16, #tpu.memory_space<vmem>>, vector<8x8x16xbf16>,
    %get3A_374 = arith.constant 3072 : index
    %get3A_375 = arith.constant 0 : index
    %get3A_376 = vector.load %arg2[%get3A_374, %get3A_375] : memref<6400x64xbf16, #tpu.memory_space<vmem>>, vector<256x64xbf16>
    %jit3A_377 = arith.constant 0.000000e+00 : bf16
    %broadcast_in_dim3A_378 = vector.broadcast %jit3A_377 : bf16 to vector<256x64xbf16>
    %select_n3A_379 = arith.select %eq3A_43, %get3A_376, %broadcast_in_dim3A_378 : vector<256x64xi1>, vector<256x64xbf16>
    %get3A_380 = arith.constant 3072 : index
    %get3A_381 = arith.constant 0 : index
    %get3A_382 = vector.load %arg1[%get3A_380, %get3A_381] : memref<6400x128xbf16, #tpu.memory_space<vmem>>, vector<256x128xbf16>
    %get3A_383 = arith.constant 3072 : index
    %get3A_384 = arith.constant 0 : index
    %get3A_385 = vector.load %arg3[%get3A_383, %get3A_384] : memref<6400x16xbf16, #tpu.memory_space<vmem>>, vector<256x16xbf16>
    %dot_general3A_386 = arith.constant dense<0.000000e+00> : vector<64x128xf32>
    %dot_general3A_387 = tpu.matmul %select_n3A_379, %get3A_382, %dot_general3A_386 {dimension_numbers = #tpu.dot_dimension_numbers<[0], [0], [1], [1], [0, 1, 1, 1], [], []>, transpose_lhs_hint = false} : vector<256x64xbf16>, vector<256x128xbf16>, vector<64x128xf32> -> vector<64x128xf32>
    %dot_general3A_388 = arith.constant dense<0.000000e+00> : vector<64x16xf32>
    %dot_general3A_389 = tpu.matmul %select_n3A_379, %get3A_385, %dot_general3A_388 {dimension_numbers = #tpu.dot_dimension_numbers<[0], [0], [1], [1], [0, 1, 1, 1], [], []>, transpose_lhs_hint = false} : vector<256x64xbf16>, vector<256x16xbf16>, vector<64x16xf32> -> vector<64x16xf32>
    %convert_element_type3A_390 = arith.truncf %dot_general3A_387 : vector<64x128xf32> to vector<64x128xbf16>
    %reshape3A_391 = vector.shape_cast %convert_element_type3A_390 : vector<64x128xbf16> to vector<8x8x128xbf16>
    %swap3A_392 = arith.constant 0 : index
    %swap3A_393 = arith.constant 96 : index
    %swap3A_394 = arith.constant 0 : index
    %swap3A_395 = vector.load %arg8[%swap3A_392, %swap3A_393, %swap3A_394] : memref<8x200x128xbf16, #tpu.memory_space<vmem>>, vector<8x8x128xbf16>
    tpu.vector_store %arg8[%swap3A_392, %swap3A_393, %swap3A_394], %reshape3A_391 {strides = array<i32>} : memref<8x200x128xbf16, #tpu.memory_space<vmem>>, vector<8x8x128xbf16>,
    %convert_element_type3A_396 = arith.truncf %dot_general3A_389 : vector<64x16xf32> to vector<64x16xbf16>
    %reshape3A_397 = vector.shape_cast %convert_element_type3A_396 : vector<64x16xbf16> to vector<8x8x16xbf16>
    %swap3A_398 = arith.constant 0 : index
    %swap3A_399 = arith.constant 96 : index
    %swap3A_400 = arith.constant 0 : index
    %swap3A_401 = vector.load %arg9[%swap3A_398, %swap3A_399, %swap3A_400] : memref<8x200x16xbf16, #tpu.memory_space<vmem>>, vector<8x8x16xbf16>
    tpu.vector_store %arg9[%swap3A_398, %swap3A_399, %swap3A_400], %reshape3A_397 {strides = array<i32>} : memref<8x200x16xbf16, #tpu.memory_space<vmem>>, vector<8x8x16xbf16>,
    %get3A_402 = arith.constant 3328 : index
    %get3A_403 = arith.constant 0 : index
    %get3A_404 = vector.load %arg2[%get3A_402, %get3A_403] : memref<6400x64xbf16, #tpu.memory_space<vmem>>, vector<256x64xbf16>
    %jit3A_405 = arith.constant 0.000000e+00 : bf16
    %broadcast_in_dim3A_406 = vector.broadcast %jit3A_405 : bf16 to vector<256x64xbf16>
    %select_n3A_407 = arith.select %eq3A_43, %get3A_404, %broadcast_in_dim3A_406 : vector<256x64xi1>, vector<256x64xbf16>
    %get3A_408 = arith.constant 3328 : index
    %get3A_409 = arith.constant 0 : index
    %get3A_410 = vector.load %arg1[%get3A_408, %get3A_409] : memref<6400x128xbf16, #tpu.memory_space<vmem>>, vector<256x128xbf16>
    %get3A_411 = arith.constant 3328 : index
    %get3A_412 = arith.constant 0 : index
    %get3A_413 = vector.load %arg3[%get3A_411, %get3A_412] : memref<6400x16xbf16, #tpu.memory_space<vmem>>, vector<256x16xbf16>
    %dot_general3A_414 = arith.constant dense<0.000000e+00> : vector<64x128xf32>
    %dot_general3A_415 = tpu.matmul %select_n3A_407, %get3A_410, %dot_general3A_414 {dimension_numbers = #tpu.dot_dimension_numbers<[0], [0], [1], [1], [0, 1, 1, 1], [], []>, transpose_lhs_hint = false} : vector<256x64xbf16>, vector<256x128xbf16>, vector<64x128xf32> -> vector<64x128xf32>
    %dot_general3A_416 = arith.constant dense<0.000000e+00> : vector<64x16xf32>
    %dot_general3A_417 = tpu.matmul %select_n3A_407, %get3A_413, %dot_general3A_416 {dimension_numbers = #tpu.dot_dimension_numbers<[0], [0], [1], [1], [0, 1, 1, 1], [], []>, transpose_lhs_hint = false} : vector<256x64xbf16>, vector<256x16xbf16>, vector<64x16xf32> -> vector<64x16xf32>
    %convert_element_type3A_418 = arith.truncf %dot_general3A_415 : vector<64x128xf32> to vector<64x128xbf16>
    %reshape3A_419 = vector.shape_cast %convert_element_type3A_418 : vector<64x128xbf16> to vector<8x8x128xbf16>
    %swap3A_420 = arith.constant 0 : index
    %swap3A_421 = arith.constant 104 : index
    %swap3A_422 = arith.constant 0 : index
    %swap3A_423 = vector.load %arg8[%swap3A_420, %swap3A_421, %swap3A_422] : memref<8x200x128xbf16, #tpu.memory_space<vmem>>, vector<8x8x128xbf16>
    tpu.vector_store %arg8[%swap3A_420, %swap3A_421, %swap3A_422], %reshape3A_419 {strides = array<i32>} : memref<8x200x128xbf16, #tpu.memory_space<vmem>>, vector<8x8x128xbf16>,
    %convert_element_type3A_424 = arith.truncf %dot_general3A_417 : vector<64x16xf32> to vector<64x16xbf16>
    %reshape3A_425 = vector.shape_cast %convert_element_type3A_424 : vector<64x16xbf16> to vector<8x8x16xbf16>
    %swap3A_426 = arith.constant 0 : index
    %swap3A_427 = arith.constant 104 : index
    %swap3A_428 = arith.constant 0 : index
    %swap3A_429 = vector.load %arg9[%swap3A_426, %swap3A_427, %swap3A_428] : memref<8x200x16xbf16, #tpu.memory_space<vmem>>, vector<8x8x16xbf16>
    tpu.vector_store %arg9[%swap3A_426, %swap3A_427, %swap3A_428], %reshape3A_425 {strides = array<i32>} : memref<8x200x16xbf16, #tpu.memory_space<vmem>>, vector<8x8x16xbf16>,
    %get3A_430 = arith.constant 3584 : index
    %get3A_431 = arith.constant 0 : index
    %get3A_432 = vector.load %arg2[%get3A_430, %get3A_431] : memref<6400x64xbf16, #tpu.memory_space<vmem>>, vector<256x64xbf16>
    %jit3A_433 = arith.constant 0.000000e+00 : bf16
    %broadcast_in_dim3A_434 = vector.broadcast %jit3A_433 : bf16 to vector<256x64xbf16>
    %select_n3A_435 = arith.select %eq3A_43, %get3A_432, %broadcast_in_dim3A_434 : vector<256x64xi1>, vector<256x64xbf16>
    %get3A_436 = arith.constant 3584 : index
    %get3A_437 = arith.constant 0 : index
    %get3A_438 = vector.load %arg1[%get3A_436, %get3A_437] : memref<6400x128xbf16, #tpu.memory_space<vmem>>, vector<256x128xbf16>
    %get3A_439 = arith.constant 3584 : index
    %get3A_440 = arith.constant 0 : index
    %get3A_441 = vector.load %arg3[%get3A_439, %get3A_440] : memref<6400x16xbf16, #tpu.memory_space<vmem>>, vector<256x16xbf16>
    %dot_general3A_442 = arith.constant dense<0.000000e+00> : vector<64x128xf32>
    %dot_general3A_443 = tpu.matmul %select_n3A_435, %get3A_438, %dot_general3A_442 {dimension_numbers = #tpu.dot_dimension_numbers<[0], [0], [1], [1], [0, 1, 1, 1], [], []>, transpose_lhs_hint = false} : vector<256x64xbf16>, vector<256x128xbf16>, vector<64x128xf32> -> vector<64x128xf32>
    %dot_general3A_444 = arith.constant dense<0.000000e+00> : vector<64x16xf32>
    %dot_general3A_445 = tpu.matmul %select_n3A_435, %get3A_441, %dot_general3A_444 {dimension_numbers = #tpu.dot_dimension_numbers<[0], [0], [1], [1], [0, 1, 1, 1], [], []>, transpose_lhs_hint = false} : vector<256x64xbf16>, vector<256x16xbf16>, vector<64x16xf32> -> vector<64x16xf32>
    %convert_element_type3A_446 = arith.truncf %dot_general3A_443 : vector<64x128xf32> to vector<64x128xbf16>
    %reshape3A_447 = vector.shape_cast %convert_element_type3A_446 : vector<64x128xbf16> to vector<8x8x128xbf16>
    %swap3A_448 = arith.constant 0 : index
    %swap3A_449 = arith.constant 112 : index
    %swap3A_450 = arith.constant 0 : index
    %swap3A_451 = vector.load %arg8[%swap3A_448, %swap3A_449, %swap3A_450] : memref<8x200x128xbf16, #tpu.memory_space<vmem>>, vector<8x8x128xbf16>
    tpu.vector_store %arg8[%swap3A_448, %swap3A_449, %swap3A_450], %reshape3A_447 {strides = array<i32>} : memref<8x200x128xbf16, #tpu.memory_space<vmem>>, vector<8x8x128xbf16>,
    %convert_element_type3A_452 = arith.truncf %dot_general3A_445 : vector<64x16xf32> to vector<64x16xbf16>
    %reshape3A_453 = vector.shape_cast %convert_element_type3A_452 : vector<64x16xbf16> to vector<8x8x16xbf16>
    %swap3A_454 = arith.constant 0 : index
    %swap3A_455 = arith.constant 112 : index
    %swap3A_456 = arith.constant 0 : index
    %swap3A_457 = vector.load %arg9[%swap3A_454, %swap3A_455, %swap3A_456] : memref<8x200x16xbf16, #tpu.memory_space<vmem>>, vector<8x8x16xbf16>
    tpu.vector_store %arg9[%swap3A_454, %swap3A_455, %swap3A_456], %reshape3A_453 {strides = array<i32>} : memref<8x200x16xbf16, #tpu.memory_space<vmem>>, vector<8x8x16xbf16>,
    %get3A_458 = arith.constant 3840 : index
    %get3A_459 = arith.constant 0 : index
    %get3A_460 = vector.load %arg2[%get3A_458, %get3A_459] : memref<6400x64xbf16, #tpu.memory_space<vmem>>, vector<256x64xbf16>
    %jit3A_461 = arith.constant 0.000000e+00 : bf16
    %broadcast_in_dim3A_462 = vector.broadcast %jit3A_461 : bf16 to vector<256x64xbf16>
    %select_n3A_463 = arith.select %eq3A_43, %get3A_460, %broadcast_in_dim3A_462 : vector<256x64xi1>, vector<256x64xbf16>
    %get3A_464 = arith.constant 3840 : index
    %get3A_465 = arith.constant 0 : index
    %get3A_466 = vector.load %arg1[%get3A_464, %get3A_465] : memref<6400x128xbf16, #tpu.memory_space<vmem>>, vector<256x128xbf16>
    %get3A_467 = arith.constant 3840 : index
    %get3A_468 = arith.constant 0 : index
    %get3A_469 = vector.load %arg3[%get3A_467, %get3A_468] : memref<6400x16xbf16, #tpu.memory_space<vmem>>, vector<256x16xbf16>
    %dot_general3A_470 = arith.constant dense<0.000000e+00> : vector<64x128xf32>
    %dot_general3A_471 = tpu.matmul %select_n3A_463, %get3A_466, %dot_general3A_470 {dimension_numbers = #tpu.dot_dimension_numbers<[0], [0], [1], [1], [0, 1, 1, 1], [], []>, transpose_lhs_hint = false} : vector<256x64xbf16>, vector<256x128xbf16>, vector<64x128xf32> -> vector<64x128xf32>
    %dot_general3A_472 = arith.constant dense<0.000000e+00> : vector<64x16xf32>
    %dot_general3A_473 = tpu.matmul %select_n3A_463, %get3A_469, %dot_general3A_472 {dimension_numbers = #tpu.dot_dimension_numbers<[0], [0], [1], [1], [0, 1, 1, 1], [], []>, transpose_lhs_hint = false} : vector<256x64xbf16>, vector<256x16xbf16>, vector<64x16xf32> -> vector<64x16xf32>
    %convert_element_type3A_474 = arith.truncf %dot_general3A_471 : vector<64x128xf32> to vector<64x128xbf16>
    %reshape3A_475 = vector.shape_cast %convert_element_type3A_474 : vector<64x128xbf16> to vector<8x8x128xbf16>
    %swap3A_476 = arith.constant 0 : index
    %swap3A_477 = arith.constant 120 : index
    %swap3A_478 = arith.constant 0 : index
    %swap3A_479 = vector.load %arg8[%swap3A_476, %swap3A_477, %swap3A_478] : memref<8x200x128xbf16, #tpu.memory_space<vmem>>, vector<8x8x128xbf16>
    tpu.vector_store %arg8[%swap3A_476, %swap3A_477, %swap3A_478], %reshape3A_475 {strides = array<i32>} : memref<8x200x128xbf16, #tpu.memory_space<vmem>>, vector<8x8x128xbf16>,
    %convert_element_type3A_480 = arith.truncf %dot_general3A_473 : vector<64x16xf32> to vector<64x16xbf16>
    %reshape3A_481 = vector.shape_cast %convert_element_type3A_480 : vector<64x16xbf16> to vector<8x8x16xbf16>
    %swap3A_482 = arith.constant 0 : index
    %swap3A_483 = arith.constant 120 : index
    %swap3A_484 = arith.constant 0 : index
    %swap3A_485 = vector.load %arg9[%swap3A_482, %swap3A_483, %swap3A_484] : memref<8x200x16xbf16, #tpu.memory_space<vmem>>, vector<8x8x16xbf16>
    tpu.vector_store %arg9[%swap3A_482, %swap3A_483, %swap3A_484], %reshape3A_481 {strides = array<i32>} : memref<8x200x16xbf16, #tpu.memory_space<vmem>>, vector<8x8x16xbf16>,
    %get3A_486 = arith.constant 4096 : index
    %get3A_487 = arith.constant 0 : index
    %get3A_488 = vector.load %arg2[%get3A_486, %get3A_487] : memref<6400x64xbf16, #tpu.memory_space<vmem>>, vector<256x64xbf16>
    %jit3A_489 = arith.constant 0.000000e+00 : bf16
    %broadcast_in_dim3A_490 = vector.broadcast %jit3A_489 : bf16 to vector<256x64xbf16>
    %select_n3A_491 = arith.select %eq3A_43, %get3A_488, %broadcast_in_dim3A_490 : vector<256x64xi1>, vector<256x64xbf16>
    %get3A_492 = arith.constant 4096 : index
    %get3A_493 = arith.constant 0 : index
    %get3A_494 = vector.load %arg1[%get3A_492, %get3A_493] : memref<6400x128xbf16, #tpu.memory_space<vmem>>, vector<256x128xbf16>
    %get3A_495 = arith.constant 4096 : index
    %get3A_496 = arith.constant 0 : index
    %get3A_497 = vector.load %arg3[%get3A_495, %get3A_496] : memref<6400x16xbf16, #tpu.memory_space<vmem>>, vector<256x16xbf16>
    %dot_general3A_498 = arith.constant dense<0.000000e+00> : vector<64x128xf32>
    %dot_general3A_499 = tpu.matmul %select_n3A_491, %get3A_494, %dot_general3A_498 {dimension_numbers = #tpu.dot_dimension_numbers<[0], [0], [1], [1], [0, 1, 1, 1], [], []>, transpose_lhs_hint = false} : vector<256x64xbf16>, vector<256x128xbf16>, vector<64x128xf32> -> vector<64x128xf32>
    %dot_general3A_500 = arith.constant dense<0.000000e+00> : vector<64x16xf32>
    %dot_general3A_501 = tpu.matmul %select_n3A_491, %get3A_497, %dot_general3A_500 {dimension_numbers = #tpu.dot_dimension_numbers<[0], [0], [1], [1], [0, 1, 1, 1], [], []>, transpose_lhs_hint = false} : vector<256x64xbf16>, vector<256x16xbf16>, vector<64x16xf32> -> vector<64x16xf32>
    %convert_element_type3A_502 = arith.truncf %dot_general3A_499 : vector<64x128xf32> to vector<64x128xbf16>
    %reshape3A_503 = vector.shape_cast %convert_element_type3A_502 : vector<64x128xbf16> to vector<8x8x128xbf16>
    %swap3A_504 = arith.constant 0 : index
    %swap3A_505 = arith.constant 128 : index
    %swap3A_506 = arith.constant 0 : index
    %swap3A_507 = vector.load %arg8[%swap3A_504, %swap3A_505, %swap3A_506] : memref<8x200x128xbf16, #tpu.memory_space<vmem>>, vector<8x8x128xbf16>
    tpu.vector_store %arg8[%swap3A_504, %swap3A_505, %swap3A_506], %reshape3A_503 {strides = array<i32>} : memref<8x200x128xbf16, #tpu.memory_space<vmem>>, vector<8x8x128xbf16>,
    %convert_element_type3A_508 = arith.truncf %dot_general3A_501 : vector<64x16xf32> to vector<64x16xbf16>
    %reshape3A_509 = vector.shape_cast %convert_element_type3A_508 : vector<64x16xbf16> to vector<8x8x16xbf16>
    %swap3A_510 = arith.constant 0 : index
    %swap3A_511 = arith.constant 128 : index
    %swap3A_512 = arith.constant 0 : index
    %swap3A_513 = vector.load %arg9[%swap3A_510, %swap3A_511, %swap3A_512] : memref<8x200x16xbf16, #tpu.memory_space<vmem>>, vector<8x8x16xbf16>
    tpu.vector_store %arg9[%swap3A_510, %swap3A_511, %swap3A_512], %reshape3A_509 {strides = array<i32>} : memref<8x200x16xbf16, #tpu.memory_space<vmem>>, vector<8x8x16xbf16>,
    %get3A_514 = arith.constant 4352 : index
    %get3A_515 = arith.constant 0 : index
    %get3A_516 = vector.load %arg2[%get3A_514, %get3A_515] : memref<6400x64xbf16, #tpu.memory_space<vmem>>, vector<256x64xbf16>
    %jit3A_517 = arith.constant 0.000000e+00 : bf16
    %broadcast_in_dim3A_518 = vector.broadcast %jit3A_517 : bf16 to vector<256x64xbf16>
    %select_n3A_519 = arith.select %eq3A_43, %get3A_516, %broadcast_in_dim3A_518 : vector<256x64xi1>, vector<256x64xbf16>
    %get3A_520 = arith.constant 4352 : index
    %get3A_521 = arith.constant 0 : index
    %get3A_522 = vector.load %arg1[%get3A_520, %get3A_521] : memref<6400x128xbf16, #tpu.memory_space<vmem>>, vector<256x128xbf16>
    %get3A_523 = arith.constant 4352 : index
    %get3A_524 = arith.constant 0 : index
    %get3A_525 = vector.load %arg3[%get3A_523, %get3A_524] : memref<6400x16xbf16, #tpu.memory_space<vmem>>, vector<256x16xbf16>
    %dot_general3A_526 = arith.constant dense<0.000000e+00> : vector<64x128xf32>
    %dot_general3A_527 = tpu.matmul %select_n3A_519, %get3A_522, %dot_general3A_526 {dimension_numbers = #tpu.dot_dimension_numbers<[0], [0], [1], [1], [0, 1, 1, 1], [], []>, transpose_lhs_hint = false} : vector<256x64xbf16>, vector<256x128xbf16>, vector<64x128xf32> -> vector<64x128xf32>
    %dot_general3A_528 = arith.constant dense<0.000000e+00> : vector<64x16xf32>
    %dot_general3A_529 = tpu.matmul %select_n3A_519, %get3A_525, %dot_general3A_528 {dimension_numbers = #tpu.dot_dimension_numbers<[0], [0], [1], [1], [0, 1, 1, 1], [], []>, transpose_lhs_hint = false} : vector<256x64xbf16>, vector<256x16xbf16>, vector<64x16xf32> -> vector<64x16xf32>
    %convert_element_type3A_530 = arith.truncf %dot_general3A_527 : vector<64x128xf32> to vector<64x128xbf16>
    %reshape3A_531 = vector.shape_cast %convert_element_type3A_530 : vector<64x128xbf16> to vector<8x8x128xbf16>
    %swap3A_532 = arith.constant 0 : index
    %swap3A_533 = arith.constant 136 : index
    %swap3A_534 = arith.constant 0 : index
    %swap3A_535 = vector.load %arg8[%swap3A_532, %swap3A_533, %swap3A_534] : memref<8x200x128xbf16, #tpu.memory_space<vmem>>, vector<8x8x128xbf16>
    tpu.vector_store %arg8[%swap3A_532, %swap3A_533, %swap3A_534], %reshape3A_531 {strides = array<i32>} : memref<8x200x128xbf16, #tpu.memory_space<vmem>>, vector<8x8x128xbf16>,
    %convert_element_type3A_536 = arith.truncf %dot_general3A_529 : vector<64x16xf32> to vector<64x16xbf16>
    %reshape3A_537 = vector.shape_cast %convert_element_type3A_536 : vector<64x16xbf16> to vector<8x8x16xbf16>
    %swap3A_538 = arith.constant 0 : index
    %swap3A_539 = arith.constant 136 : index
    %swap3A_540 = arith.constant 0 : index
    %swap3A_541 = vector.load %arg9[%swap3A_538, %swap3A_539, %swap3A_540] : memref<8x200x16xbf16, #tpu.memory_space<vmem>>, vector<8x8x16xbf16>
    tpu.vector_store %arg9[%swap3A_538, %swap3A_539, %swap3A_540], %reshape3A_537 {strides = array<i32>} : memref<8x200x16xbf16, #tpu.memory_space<vmem>>, vector<8x8x16xbf16>,
    %get3A_542 = arith.constant 4608 : index
    %get3A_543 = arith.constant 0 : index
    %get3A_544 = vector.load %arg2[%get3A_542, %get3A_543] : memref<6400x64xbf16, #tpu.memory_space<vmem>>, vector<256x64xbf16>
    %jit3A_545 = arith.constant 0.000000e+00 : bf16
    %broadcast_in_dim3A_546 = vector.broadcast %jit3A_545 : bf16 to vector<256x64xbf16>
    %select_n3A_547 = arith.select %eq3A_43, %get3A_544, %broadcast_in_dim3A_546 : vector<256x64xi1>, vector<256x64xbf16>
    %get3A_548 = arith.constant 4608 : index
    %get3A_549 = arith.constant 0 : index
    %get3A_550 = vector.load %arg1[%get3A_548, %get3A_549] : memref<6400x128xbf16, #tpu.memory_space<vmem>>, vector<256x128xbf16>
    %get3A_551 = arith.constant 4608 : index
    %get3A_552 = arith.constant 0 : index
    %get3A_553 = vector.load %arg3[%get3A_551, %get3A_552] : memref<6400x16xbf16, #tpu.memory_space<vmem>>, vector<256x16xbf16>
    %dot_general3A_554 = arith.constant dense<0.000000e+00> : vector<64x128xf32>
    %dot_general3A_555 = tpu.matmul %select_n3A_547, %get3A_550, %dot_general3A_554 {dimension_numbers = #tpu.dot_dimension_numbers<[0], [0], [1], [1], [0, 1, 1, 1], [], []>, transpose_lhs_hint = false} : vector<256x64xbf16>, vector<256x128xbf16>, vector<64x128xf32> -> vector<64x128xf32>
    %dot_general3A_556 = arith.constant dense<0.000000e+00> : vector<64x16xf32>
    %dot_general3A_557 = tpu.matmul %select_n3A_547, %get3A_553, %dot_general3A_556 {dimension_numbers = #tpu.dot_dimension_numbers<[0], [0], [1], [1], [0, 1, 1, 1], [], []>, transpose_lhs_hint = false} : vector<256x64xbf16>, vector<256x16xbf16>, vector<64x16xf32> -> vector<64x16xf32>
    %convert_element_type3A_558 = arith.truncf %dot_general3A_555 : vector<64x128xf32> to vector<64x128xbf16>
    %reshape3A_559 = vector.shape_cast %convert_element_type3A_558 : vector<64x128xbf16> to vector<8x8x128xbf16>
    %swap3A_560 = arith.constant 0 : index
    %swap3A_561 = arith.constant 144 : index
    %swap3A_562 = arith.constant 0 : index
    %swap3A_563 = vector.load %arg8[%swap3A_560, %swap3A_561, %swap3A_562] : memref<8x200x128xbf16, #tpu.memory_space<vmem>>, vector<8x8x128xbf16>
    tpu.vector_store %arg8[%swap3A_560, %swap3A_561, %swap3A_562], %reshape3A_559 {strides = array<i32>} : memref<8x200x128xbf16, #tpu.memory_space<vmem>>, vector<8x8x128xbf16>,
    %convert_element_type3A_564 = arith.truncf %dot_general3A_557 : vector<64x16xf32> to vector<64x16xbf16>
    %reshape3A_565 = vector.shape_cast %convert_element_type3A_564 : vector<64x16xbf16> to vector<8x8x16xbf16>
    %swap3A_566 = arith.constant 0 : index
    %swap3A_567 = arith.constant 144 : index
    %swap3A_568 = arith.constant 0 : index
    %swap3A_569 = vector.load %arg9[%swap3A_566, %swap3A_567, %swap3A_568] : memref<8x200x16xbf16, #tpu.memory_space<vmem>>, vector<8x8x16xbf16>
    tpu.vector_store %arg9[%swap3A_566, %swap3A_567, %swap3A_568], %reshape3A_565 {strides = array<i32>} : memref<8x200x16xbf16, #tpu.memory_space<vmem>>, vector<8x8x16xbf16>,
    %get3A_570 = arith.constant 4864 : index
    %get3A_571 = arith.constant 0 : index
    %get3A_572 = vector.load %arg2[%get3A_570, %get3A_571] : memref<6400x64xbf16, #tpu.memory_space<vmem>>, vector<256x64xbf16>
    %jit3A_573 = arith.constant 0.000000e+00 : bf16
    %broadcast_in_dim3A_574 = vector.broadcast %jit3A_573 : bf16 to vector<256x64xbf16>
    %select_n3A_575 = arith.select %eq3A_43, %get3A_572, %broadcast_in_dim3A_574 : vector<256x64xi1>, vector<256x64xbf16>
    %get3A_576 = arith.constant 4864 : index
    %get3A_577 = arith.constant 0 : index
    %get3A_578 = vector.load %arg1[%get3A_576, %get3A_577] : memref<6400x128xbf16, #tpu.memory_space<vmem>>, vector<256x128xbf16>
    %get3A_579 = arith.constant 4864 : index
    %get3A_580 = arith.constant 0 : index
    %get3A_581 = vector.load %arg3[%get3A_579, %get3A_580] : memref<6400x16xbf16, #tpu.memory_space<vmem>>, vector<256x16xbf16>
    %dot_general3A_582 = arith.constant dense<0.000000e+00> : vector<64x128xf32>
    %dot_general3A_583 = tpu.matmul %select_n3A_575, %get3A_578, %dot_general3A_582 {dimension_numbers = #tpu.dot_dimension_numbers<[0], [0], [1], [1], [0, 1, 1, 1], [], []>, transpose_lhs_hint = false} : vector<256x64xbf16>, vector<256x128xbf16>, vector<64x128xf32> -> vector<64x128xf32>
    %dot_general3A_584 = arith.constant dense<0.000000e+00> : vector<64x16xf32>
    %dot_general3A_585 = tpu.matmul %select_n3A_575, %get3A_581, %dot_general3A_584 {dimension_numbers = #tpu.dot_dimension_numbers<[0], [0], [1], [1], [0, 1, 1, 1], [], []>, transpose_lhs_hint = false} : vector<256x64xbf16>, vector<256x16xbf16>, vector<64x16xf32> -> vector<64x16xf32>
    %convert_element_type3A_586 = arith.truncf %dot_general3A_583 : vector<64x128xf32> to vector<64x128xbf16>
    %reshape3A_587 = vector.shape_cast %convert_element_type3A_586 : vector<64x128xbf16> to vector<8x8x128xbf16>
    %swap3A_588 = arith.constant 0 : index
    %swap3A_589 = arith.constant 152 : index
    %swap3A_590 = arith.constant 0 : index
    %swap3A_591 = vector.load %arg8[%swap3A_588, %swap3A_589, %swap3A_590] : memref<8x200x128xbf16, #tpu.memory_space<vmem>>, vector<8x8x128xbf16>
    tpu.vector_store %arg8[%swap3A_588, %swap3A_589, %swap3A_590], %reshape3A_587 {strides = array<i32>} : memref<8x200x128xbf16, #tpu.memory_space<vmem>>, vector<8x8x128xbf16>,
    %convert_element_type3A_592 = arith.truncf %dot_general3A_585 : vector<64x16xf32> to vector<64x16xbf16>
    %reshape3A_593 = vector.shape_cast %convert_element_type3A_592 : vector<64x16xbf16> to vector<8x8x16xbf16>
    %swap3A_594 = arith.constant 0 : index
    %swap3A_595 = arith.constant 152 : index
    %swap3A_596 = arith.constant 0 : index
    %swap3A_597 = vector.load %arg9[%swap3A_594, %swap3A_595, %swap3A_596] : memref<8x200x16xbf16, #tpu.memory_space<vmem>>, vector<8x8x16xbf16>
    tpu.vector_store %arg9[%swap3A_594, %swap3A_595, %swap3A_596], %reshape3A_593 {strides = array<i32>} : memref<8x200x16xbf16, #tpu.memory_space<vmem>>, vector<8x8x16xbf16>,
    %get3A_598 = arith.constant 5120 : index
    %get3A_599 = arith.constant 0 : index
    %get3A_600 = vector.load %arg2[%get3A_598, %get3A_599] : memref<6400x64xbf16, #tpu.memory_space<vmem>>, vector<256x64xbf16>
    %jit3A_601 = arith.constant 0.000000e+00 : bf16
    %broadcast_in_dim3A_602 = vector.broadcast %jit3A_601 : bf16 to vector<256x64xbf16>
    %select_n3A_603 = arith.select %eq3A_43, %get3A_600, %broadcast_in_dim3A_602 : vector<256x64xi1>, vector<256x64xbf16>
    %get3A_604 = arith.constant 5120 : index
    %get3A_605 = arith.constant 0 : index
    %get3A_606 = vector.load %arg1[%get3A_604, %get3A_605] : memref<6400x128xbf16, #tpu.memory_space<vmem>>, vector<256x128xbf16>
    %get3A_607 = arith.constant 5120 : index
    %get3A_608 = arith.constant 0 : index
    %get3A_609 = vector.load %arg3[%get3A_607, %get3A_608] : memref<6400x16xbf16, #tpu.memory_space<vmem>>, vector<256x16xbf16>
    %dot_general3A_610 = arith.constant dense<0.000000e+00> : vector<64x128xf32>
    %dot_general3A_611 = tpu.matmul %select_n3A_603, %get3A_606, %dot_general3A_610 {dimension_numbers = #tpu.dot_dimension_numbers<[0], [0], [1], [1], [0, 1, 1, 1], [], []>, transpose_lhs_hint = false} : vector<256x64xbf16>, vector<256x128xbf16>, vector<64x128xf32> -> vector<64x128xf32>
    %dot_general3A_612 = arith.constant dense<0.000000e+00> : vector<64x16xf32>
    %dot_general3A_613 = tpu.matmul %select_n3A_603, %get3A_609, %dot_general3A_612 {dimension_numbers = #tpu.dot_dimension_numbers<[0], [0], [1], [1], [0, 1, 1, 1], [], []>, transpose_lhs_hint = false} : vector<256x64xbf16>, vector<256x16xbf16>, vector<64x16xf32> -> vector<64x16xf32>
    %convert_element_type3A_614 = arith.truncf %dot_general3A_611 : vector<64x128xf32> to vector<64x128xbf16>
    %reshape3A_615 = vector.shape_cast %convert_element_type3A_614 : vector<64x128xbf16> to vector<8x8x128xbf16>
    %swap3A_616 = arith.constant 0 : index
    %swap3A_617 = arith.constant 160 : index
    %swap3A_618 = arith.constant 0 : index
    %swap3A_619 = vector.load %arg8[%swap3A_616, %swap3A_617, %swap3A_618] : memref<8x200x128xbf16, #tpu.memory_space<vmem>>, vector<8x8x128xbf16>
    tpu.vector_store %arg8[%swap3A_616, %swap3A_617, %swap3A_618], %reshape3A_615 {strides = array<i32>} : memref<8x200x128xbf16, #tpu.memory_space<vmem>>, vector<8x8x128xbf16>,
    %convert_element_type3A_620 = arith.truncf %dot_general3A_613 : vector<64x16xf32> to vector<64x16xbf16>
    %reshape3A_621 = vector.shape_cast %convert_element_type3A_620 : vector<64x16xbf16> to vector<8x8x16xbf16>
    %swap3A_622 = arith.constant 0 : index
    %swap3A_623 = arith.constant 160 : index
    %swap3A_624 = arith.constant 0 : index
    %swap3A_625 = vector.load %arg9[%swap3A_622, %swap3A_623, %swap3A_624] : memref<8x200x16xbf16, #tpu.memory_space<vmem>>, vector<8x8x16xbf16>
    tpu.vector_store %arg9[%swap3A_622, %swap3A_623, %swap3A_624], %reshape3A_621 {strides = array<i32>} : memref<8x200x16xbf16, #tpu.memory_space<vmem>>, vector<8x8x16xbf16>,
    %get3A_626 = arith.constant 5376 : index
    %get3A_627 = arith.constant 0 : index
    %get3A_628 = vector.load %arg2[%get3A_626, %get3A_627] : memref<6400x64xbf16, #tpu.memory_space<vmem>>, vector<256x64xbf16>
    %jit3A_629 = arith.constant 0.000000e+00 : bf16
    %broadcast_in_dim3A_630 = vector.broadcast %jit3A_629 : bf16 to vector<256x64xbf16>
    %select_n3A_631 = arith.select %eq3A_43, %get3A_628, %broadcast_in_dim3A_630 : vector<256x64xi1>, vector<256x64xbf16>
    %get3A_632 = arith.constant 5376 : index
    %get3A_633 = arith.constant 0 : index
    %get3A_634 = vector.load %arg1[%get3A_632, %get3A_633] : memref<6400x128xbf16, #tpu.memory_space<vmem>>, vector<256x128xbf16>
    %get3A_635 = arith.constant 5376 : index
    %get3A_636 = arith.constant 0 : index
    %get3A_637 = vector.load %arg3[%get3A_635, %get3A_636] : memref<6400x16xbf16, #tpu.memory_space<vmem>>, vector<256x16xbf16>
    %dot_general3A_638 = arith.constant dense<0.000000e+00> : vector<64x128xf32>
    %dot_general3A_639 = tpu.matmul %select_n3A_631, %get3A_634, %dot_general3A_638 {dimension_numbers = #tpu.dot_dimension_numbers<[0], [0], [1], [1], [0, 1, 1, 1], [], []>, transpose_lhs_hint = false} : vector<256x64xbf16>, vector<256x128xbf16>, vector<64x128xf32> -> vector<64x128xf32>
    %dot_general3A_640 = arith.constant dense<0.000000e+00> : vector<64x16xf32>
    %dot_general3A_641 = tpu.matmul %select_n3A_631, %get3A_637, %dot_general3A_640 {dimension_numbers = #tpu.dot_dimension_numbers<[0], [0], [1], [1], [0, 1, 1, 1], [], []>, transpose_lhs_hint = false} : vector<256x64xbf16>, vector<256x16xbf16>, vector<64x16xf32> -> vector<64x16xf32>
    %convert_element_type3A_642 = arith.truncf %dot_general3A_639 : vector<64x128xf32> to vector<64x128xbf16>
    %reshape3A_643 = vector.shape_cast %convert_element_type3A_642 : vector<64x128xbf16> to vector<8x8x128xbf16>
    %swap3A_644 = arith.constant 0 : index
    %swap3A_645 = arith.constant 168 : index
    %swap3A_646 = arith.constant 0 : index
    %swap3A_647 = vector.load %arg8[%swap3A_644, %swap3A_645, %swap3A_646] : memref<8x200x128xbf16, #tpu.memory_space<vmem>>, vector<8x8x128xbf16>
    tpu.vector_store %arg8[%swap3A_644, %swap3A_645, %swap3A_646], %reshape3A_643 {strides = array<i32>} : memref<8x200x128xbf16, #tpu.memory_space<vmem>>, vector<8x8x128xbf16>,
    %convert_element_type3A_648 = arith.truncf %dot_general3A_641 : vector<64x16xf32> to vector<64x16xbf16>
    %reshape3A_649 = vector.shape_cast %convert_element_type3A_648 : vector<64x16xbf16> to vector<8x8x16xbf16>
    %swap3A_650 = arith.constant 0 : index
    %swap3A_651 = arith.constant 168 : index
    %swap3A_652 = arith.constant 0 : index
    %swap3A_653 = vector.load %arg9[%swap3A_650, %swap3A_651, %swap3A_652] : memref<8x200x16xbf16, #tpu.memory_space<vmem>>, vector<8x8x16xbf16>
    tpu.vector_store %arg9[%swap3A_650, %swap3A_651, %swap3A_652], %reshape3A_649 {strides = array<i32>} : memref<8x200x16xbf16, #tpu.memory_space<vmem>>, vector<8x8x16xbf16>,
    %get3A_654 = arith.constant 5632 : index
    %get3A_655 = arith.constant 0 : index
    %get3A_656 = vector.load %arg2[%get3A_654, %get3A_655] : memref<6400x64xbf16, #tpu.memory_space<vmem>>, vector<256x64xbf16>
    %jit3A_657 = arith.constant 0.000000e+00 : bf16
    %broadcast_in_dim3A_658 = vector.broadcast %jit3A_657 : bf16 to vector<256x64xbf16>
    %select_n3A_659 = arith.select %eq3A_43, %get3A_656, %broadcast_in_dim3A_658 : vector<256x64xi1>, vector<256x64xbf16>
    %get3A_660 = arith.constant 5632 : index
    %get3A_661 = arith.constant 0 : index
    %get3A_662 = vector.load %arg1[%get3A_660, %get3A_661] : memref<6400x128xbf16, #tpu.memory_space<vmem>>, vector<256x128xbf16>
    %get3A_663 = arith.constant 5632 : index
    %get3A_664 = arith.constant 0 : index
    %get3A_665 = vector.load %arg3[%get3A_663, %get3A_664] : memref<6400x16xbf16, #tpu.memory_space<vmem>>, vector<256x16xbf16>
    %dot_general3A_666 = arith.constant dense<0.000000e+00> : vector<64x128xf32>
    %dot_general3A_667 = tpu.matmul %select_n3A_659, %get3A_662, %dot_general3A_666 {dimension_numbers = #tpu.dot_dimension_numbers<[0], [0], [1], [1], [0, 1, 1, 1], [], []>, transpose_lhs_hint = false} : vector<256x64xbf16>, vector<256x128xbf16>, vector<64x128xf32> -> vector<64x128xf32>
    %dot_general3A_668 = arith.constant dense<0.000000e+00> : vector<64x16xf32>
    %dot_general3A_669 = tpu.matmul %select_n3A_659, %get3A_665, %dot_general3A_668 {dimension_numbers = #tpu.dot_dimension_numbers<[0], [0], [1], [1], [0, 1, 1, 1], [], []>, transpose_lhs_hint = false} : vector<256x64xbf16>, vector<256x16xbf16>, vector<64x16xf32> -> vector<64x16xf32>
    %convert_element_type3A_670 = arith.truncf %dot_general3A_667 : vector<64x128xf32> to vector<64x128xbf16>
    %reshape3A_671 = vector.shape_cast %convert_element_type3A_670 : vector<64x128xbf16> to vector<8x8x128xbf16>
    %swap3A_672 = arith.constant 0 : index
    %swap3A_673 = arith.constant 176 : index
    %swap3A_674 = arith.constant 0 : index
    %swap3A_675 = vector.load %arg8[%swap3A_672, %swap3A_673, %swap3A_674] : memref<8x200x128xbf16, #tpu.memory_space<vmem>>, vector<8x8x128xbf16>
    tpu.vector_store %arg8[%swap3A_672, %swap3A_673, %swap3A_674], %reshape3A_671 {strides = array<i32>} : memref<8x200x128xbf16, #tpu.memory_space<vmem>>, vector<8x8x128xbf16>,
    %convert_element_type3A_676 = arith.truncf %dot_general3A_669 : vector<64x16xf32> to vector<64x16xbf16>
    %reshape3A_677 = vector.shape_cast %convert_element_type3A_676 : vector<64x16xbf16> to vector<8x8x16xbf16>
    %swap3A_678 = arith.constant 0 : index
    %swap3A_679 = arith.constant 176 : index
    %swap3A_680 = arith.constant 0 : index
    %swap3A_681 = vector.load %arg9[%swap3A_678, %swap3A_679, %swap3A_680] : memref<8x200x16xbf16, #tpu.memory_space<vmem>>, vector<8x8x16xbf16>
    tpu.vector_store %arg9[%swap3A_678, %swap3A_679, %swap3A_680], %reshape3A_677 {strides = array<i32>} : memref<8x200x16xbf16, #tpu.memory_space<vmem>>, vector<8x8x16xbf16>,
    %get3A_682 = arith.constant 5888 : index
    %get3A_683 = arith.constant 0 : index
    %get3A_684 = vector.load %arg2[%get3A_682, %get3A_683] : memref<6400x64xbf16, #tpu.memory_space<vmem>>, vector<256x64xbf16>
    %jit3A_685 = arith.constant 0.000000e+00 : bf16
    %broadcast_in_dim3A_686 = vector.broadcast %jit3A_685 : bf16 to vector<256x64xbf16>
    %select_n3A_687 = arith.select %eq3A_43, %get3A_684, %broadcast_in_dim3A_686 : vector<256x64xi1>, vector<256x64xbf16>
    %get3A_688 = arith.constant 5888 : index
    %get3A_689 = arith.constant 0 : index
    %get3A_690 = vector.load %arg1[%get3A_688, %get3A_689] : memref<6400x128xbf16, #tpu.memory_space<vmem>>, vector<256x128xbf16>
    %get3A_691 = arith.constant 5888 : index
    %get3A_692 = arith.constant 0 : index
    %get3A_693 = vector.load %arg3[%get3A_691, %get3A_692] : memref<6400x16xbf16, #tpu.memory_space<vmem>>, vector<256x16xbf16>
    %dot_general3A_694 = arith.constant dense<0.000000e+00> : vector<64x128xf32>
    %dot_general3A_695 = tpu.matmul %select_n3A_687, %get3A_690, %dot_general3A_694 {dimension_numbers = #tpu.dot_dimension_numbers<[0], [0], [1], [1], [0, 1, 1, 1], [], []>, transpose_lhs_hint = false} : vector<256x64xbf16>, vector<256x128xbf16>, vector<64x128xf32> -> vector<64x128xf32>
    %dot_general3A_696 = arith.constant dense<0.000000e+00> : vector<64x16xf32>
    %dot_general3A_697 = tpu.matmul %select_n3A_687, %get3A_693, %dot_general3A_696 {dimension_numbers = #tpu.dot_dimension_numbers<[0], [0], [1], [1], [0, 1, 1, 1], [], []>, transpose_lhs_hint = false} : vector<256x64xbf16>, vector<256x16xbf16>, vector<64x16xf32> -> vector<64x16xf32>
    %convert_element_type3A_698 = arith.truncf %dot_general3A_695 : vector<64x128xf32> to vector<64x128xbf16>
    %reshape3A_699 = vector.shape_cast %convert_element_type3A_698 : vector<64x128xbf16> to vector<8x8x128xbf16>
    %swap3A_700 = arith.constant 0 : index
    %swap3A_701 = arith.constant 184 : index
    %swap3A_702 = arith.constant 0 : index
    %swap3A_703 = vector.load %arg8[%swap3A_700, %swap3A_701, %swap3A_702] : memref<8x200x128xbf16, #tpu.memory_space<vmem>>, vector<8x8x128xbf16>
    tpu.vector_store %arg8[%swap3A_700, %swap3A_701, %swap3A_702], %reshape3A_699 {strides = array<i32>} : memref<8x200x128xbf16, #tpu.memory_space<vmem>>, vector<8x8x128xbf16>,
    %convert_element_type3A_704 = arith.truncf %dot_general3A_697 : vector<64x16xf32> to vector<64x16xbf16>
    %reshape3A_705 = vector.shape_cast %convert_element_type3A_704 : vector<64x16xbf16> to vector<8x8x16xbf16>
    %swap3A_706 = arith.constant 0 : index
    %swap3A_707 = arith.constant 184 : index
    %swap3A_708 = arith.constant 0 : index
    %swap3A_709 = vector.load %arg9[%swap3A_706, %swap3A_707, %swap3A_708] : memref<8x200x16xbf16, #tpu.memory_space<vmem>>, vector<8x8x16xbf16>
    tpu.vector_store %arg9[%swap3A_706, %swap3A_707, %swap3A_708], %reshape3A_705 {strides = array<i32>} : memref<8x200x16xbf16, #tpu.memory_space<vmem>>, vector<8x8x16xbf16>,
    %get3A_710 = arith.constant 6144 : index
    %get3A_711 = arith.constant 0 : index
    %get3A_712 = vector.load %arg2[%get3A_710, %get3A_711] : memref<6400x64xbf16, #tpu.memory_space<vmem>>, vector<256x64xbf16>
    %jit3A_713 = arith.constant 0.000000e+00 : bf16
    %broadcast_in_dim3A_714 = vector.broadcast %jit3A_713 : bf16 to vector<256x64xbf16>
    %select_n3A_715 = arith.select %eq3A_43, %get3A_712, %broadcast_in_dim3A_714 : vector<256x64xi1>, vector<256x64xbf16>
    %get3A_716 = arith.constant 6144 : index
    %get3A_717 = arith.constant 0 : index
    %get3A_718 = vector.load %arg1[%get3A_716, %get3A_717] : memref<6400x128xbf16, #tpu.memory_space<vmem>>, vector<256x128xbf16>
    %get3A_719 = arith.constant 6144 : index
    %get3A_720 = arith.constant 0 : index
    %get3A_721 = vector.load %arg3[%get3A_719, %get3A_720] : memref<6400x16xbf16, #tpu.memory_space<vmem>>, vector<256x16xbf16>
    %dot_general3A_722 = arith.constant dense<0.000000e+00> : vector<64x128xf32>
    %dot_general3A_723 = tpu.matmul %select_n3A_715, %get3A_718, %dot_general3A_722 {dimension_numbers = #tpu.dot_dimension_numbers<[0], [0], [1], [1], [0, 1, 1, 1], [], []>, transpose_lhs_hint = false} : vector<256x64xbf16>, vector<256x128xbf16>, vector<64x128xf32> -> vector<64x128xf32>
    %dot_general3A_724 = arith.constant dense<0.000000e+00> : vector<64x16xf32>
    %dot_general3A_725 = tpu.matmul %select_n3A_715, %get3A_721, %dot_general3A_724 {dimension_numbers = #tpu.dot_dimension_numbers<[0], [0], [1], [1], [0, 1, 1, 1], [], []>, transpose_lhs_hint = false} : vector<256x64xbf16>, vector<256x16xbf16>, vector<64x16xf32> -> vector<64x16xf32>
    %convert_element_type3A_726 = arith.truncf %dot_general3A_723 : vector<64x128xf32> to vector<64x128xbf16>
    %reshape3A_727 = vector.shape_cast %convert_element_type3A_726 : vector<64x128xbf16> to vector<8x8x128xbf16>
    %swap3A_728 = arith.constant 0 : index
    %swap3A_729 = arith.constant 192 : index
    %swap3A_730 = arith.constant 0 : index
    %swap3A_731 = vector.load %arg8[%swap3A_728, %swap3A_729, %swap3A_730] : memref<8x200x128xbf16, #tpu.memory_space<vmem>>, vector<8x8x128xbf16>
    tpu.vector_store %arg8[%swap3A_728, %swap3A_729, %swap3A_730], %reshape3A_727 {strides = array<i32>} : memref<8x200x128xbf16, #tpu.memory_space<vmem>>, vector<8x8x128xbf16>,
    %convert_element_type3A_732 = arith.truncf %dot_general3A_725 : vector<64x16xf32> to vector<64x16xbf16>
    %reshape3A_733 = vector.shape_cast %convert_element_type3A_732 : vector<64x16xbf16> to vector<8x8x16xbf16>
    %swap3A_734 = arith.constant 0 : index
    %swap3A_735 = arith.constant 192 : index
    %swap3A_736 = arith.constant 0 : index
    %swap3A_737 = vector.load %arg9[%swap3A_734, %swap3A_735, %swap3A_736] : memref<8x200x16xbf16, #tpu.memory_space<vmem>>, vector<8x8x16xbf16>
    tpu.vector_store %arg9[%swap3A_734, %swap3A_735, %swap3A_736], %reshape3A_733 {strides = array<i32>} : memref<8x200x16xbf16, #tpu.memory_space<vmem>>, vector<8x8x16xbf16>,
    %broadcast_in_dim3A_738 = arith.constant 0.000000e+00 : f32
    %broadcast_in_dim3A_739 = vector.broadcast %broadcast_in_dim3A_738 : f32 to vector<200x128xf32>
    %get3A_740 = arith.constant 0 : index
    %get3A_741 = arith.constant 0 : index
    %get3A_742 = arith.constant 0 : index
    %get3A_743 = vector.load %arg8[%get3A_740, %get3A_741, %get3A_742] : memref<8x200x128xbf16, #tpu.memory_space<vmem>>, vector<1x200x128xbf16>
    %get3A_744 = vector.shape_cast %get3A_743 : vector<1x200x128xbf16> to vector<200x128xbf16>
    %get3A_745 = arith.constant 0 : index
    %get3A_746 = arith.constant 0 : index
    %get3A_747 = arith.constant 0 : index
    %get3A_748 = vector.load %arg4[%get3A_745, %get3A_746, %get3A_747] : memref<8x128x128xbf16, #tpu.memory_space<vmem>>, vector<1x128x128xbf16>
    %get3A_749 = vector.shape_cast %get3A_748 : vector<1x128x128xbf16> to vector<128x128xbf16>
    %dot_general3A_750 = arith.constant dense<0.000000e+00> : vector<200x128xf32>
    %dot_general3A_751 = tpu.matmul %get3A_744, %get3A_749, %dot_general3A_750 {dimension_numbers = #tpu.dot_dimension_numbers<[1], [0], [0], [1], [0, 0, 1, 1], [], []>, transpose_lhs_hint = false} : vector<200x128xbf16>, vector<128x128xbf16>, vector<200x128xf32> -> vector<200x128xf32>
    %add3A_752 = arith.addf %broadcast_in_dim3A_739, %dot_general3A_751 : vector<200x128xf32>
    %get3A_753 = arith.constant 0 : index
    %get3A_754 = arith.constant 0 : index
    %get3A_755 = arith.constant 0 : index
    %get3A_756 = vector.load %arg9[%get3A_753, %get3A_754, %get3A_755] : memref<8x200x16xbf16, #tpu.memory_space<vmem>>, vector<1x200x16xbf16>
    %get3A_757 = vector.shape_cast %get3A_756 : vector<1x200x16xbf16> to vector<200x16xbf16>
    %get3A_758 = arith.constant 0 : index
    %get3A_759 = arith.constant 0 : index
    %get3A_760 = arith.constant 0 : index
    %get3A_761 = vector.load %arg5[%get3A_758, %get3A_759, %get3A_760] : memref<8x16x128xbf16, #tpu.memory_space<vmem>>, vector<1x16x128xbf16>
    %get3A_762 = vector.shape_cast %get3A_761 : vector<1x16x128xbf16> to vector<16x128xbf16>
    %dot_general3A_763 = arith.constant dense<0.000000e+00> : vector<200x128xf32>
    %dot_general3A_764 = tpu.matmul %get3A_757, %get3A_762, %dot_general3A_763 {dimension_numbers = #tpu.dot_dimension_numbers<[1], [0], [0], [1], [0, 0, 1, 1], [], []>, transpose_lhs_hint = false} : vector<200x16xbf16>, vector<16x128xbf16>, vector<200x128xf32> -> vector<200x128xf32>
    %add3A_765 = arith.addf %add3A_752, %dot_general3A_764 : vector<200x128xf32>
    %get3A_766 = arith.constant 1 : index
    %get3A_767 = arith.constant 0 : index
    %get3A_768 = arith.constant 0 : index
    %get3A_769 = vector.load %arg8[%get3A_766, %get3A_767, %get3A_768] : memref<8x200x128xbf16, #tpu.memory_space<vmem>>, vector<1x200x128xbf16>
    %get3A_770 = vector.shape_cast %get3A_769 : vector<1x200x128xbf16> to vector<200x128xbf16>
    %get3A_771 = arith.constant 1 : index
    %get3A_772 = arith.constant 0 : index
    %get3A_773 = arith.constant 0 : index
    %get3A_774 = vector.load %arg4[%get3A_771, %get3A_772, %get3A_773] : memref<8x128x128xbf16, #tpu.memory_space<vmem>>, vector<1x128x128xbf16>
    %get3A_775 = vector.shape_cast %get3A_774 : vector<1x128x128xbf16> to vector<128x128xbf16>
    %dot_general3A_776 = arith.constant dense<0.000000e+00> : vector<200x128xf32>
    %dot_general3A_777 = tpu.matmul %get3A_770, %get3A_775, %dot_general3A_776 {dimension_numbers = #tpu.dot_dimension_numbers<[1], [0], [0], [1], [0, 0, 1, 1], [], []>, transpose_lhs_hint = false} : vector<200x128xbf16>, vector<128x128xbf16>, vector<200x128xf32> -> vector<200x128xf32>
    %add3A_778 = arith.addf %add3A_765, %dot_general3A_777 : vector<200x128xf32>
    %get3A_779 = arith.constant 1 : index
    %get3A_780 = arith.constant 0 : index
    %get3A_781 = arith.constant 0 : index
    %get3A_782 = vector.load %arg9[%get3A_779, %get3A_780, %get3A_781] : memref<8x200x16xbf16, #tpu.memory_space<vmem>>, vector<1x200x16xbf16>
    %get3A_783 = vector.shape_cast %get3A_782 : vector<1x200x16xbf16> to vector<200x16xbf16>
    %get3A_784 = arith.constant 1 : index
    %get3A_785 = arith.constant 0 : index
    %get3A_786 = arith.constant 0 : index
    %get3A_787 = vector.load %arg5[%get3A_784, %get3A_785, %get3A_786] : memref<8x16x128xbf16, #tpu.memory_space<vmem>>, vector<1x16x128xbf16>
    %get3A_788 = vector.shape_cast %get3A_787 : vector<1x16x128xbf16> to vector<16x128xbf16>
    %dot_general3A_789 = arith.constant dense<0.000000e+00> : vector<200x128xf32>
    %dot_general3A_790 = tpu.matmul %get3A_783, %get3A_788, %dot_general3A_789 {dimension_numbers = #tpu.dot_dimension_numbers<[1], [0], [0], [1], [0, 0, 1, 1], [], []>, transpose_lhs_hint = false} : vector<200x16xbf16>, vector<16x128xbf16>, vector<200x128xf32> -> vector<200x128xf32>
    %add3A_791 = arith.addf %add3A_778, %dot_general3A_790 : vector<200x128xf32>
    %get3A_792 = arith.constant 2 : index
    %get3A_793 = arith.constant 0 : index
    %get3A_794 = arith.constant 0 : index
    %get3A_795 = vector.load %arg8[%get3A_792, %get3A_793, %get3A_794] : memref<8x200x128xbf16, #tpu.memory_space<vmem>>, vector<1x200x128xbf16>
    %get3A_796 = vector.shape_cast %get3A_795 : vector<1x200x128xbf16> to vector<200x128xbf16>
    %get3A_797 = arith.constant 2 : index
    %get3A_798 = arith.constant 0 : index
    %get3A_799 = arith.constant 0 : index
    %get3A_800 = vector.load %arg4[%get3A_797, %get3A_798, %get3A_799] : memref<8x128x128xbf16, #tpu.memory_space<vmem>>, vector<1x128x128xbf16>
    %get3A_801 = vector.shape_cast %get3A_800 : vector<1x128x128xbf16> to vector<128x128xbf16>
    %dot_general3A_802 = arith.constant dense<0.000000e+00> : vector<200x128xf32>
    %dot_general3A_803 = tpu.matmul %get3A_796, %get3A_801, %dot_general3A_802 {dimension_numbers = #tpu.dot_dimension_numbers<[1], [0], [0], [1], [0, 0, 1, 1], [], []>, transpose_lhs_hint = false} : vector<200x128xbf16>, vector<128x128xbf16>, vector<200x128xf32> -> vector<200x128xf32>
    %add3A_804 = arith.addf %add3A_791, %dot_general3A_803 : vector<200x128xf32>
    %get3A_805 = arith.constant 2 : index
    %get3A_806 = arith.constant 0 : index
    %get3A_807 = arith.constant 0 : index
    %get3A_808 = vector.load %arg9[%get3A_805, %get3A_806, %get3A_807] : memref<8x200x16xbf16, #tpu.memory_space<vmem>>, vector<1x200x16xbf16>
    %get3A_809 = vector.shape_cast %get3A_808 : vector<1x200x16xbf16> to vector<200x16xbf16>
    %get3A_810 = arith.constant 2 : index
    %get3A_811 = arith.constant 0 : index
    %get3A_812 = arith.constant 0 : index
    %get3A_813 = vector.load %arg5[%get3A_810, %get3A_811, %get3A_812] : memref<8x16x128xbf16, #tpu.memory_space<vmem>>, vector<1x16x128xbf16>
    %get3A_814 = vector.shape_cast %get3A_813 : vector<1x16x128xbf16> to vector<16x128xbf16>
    %dot_general3A_815 = arith.constant dense<0.000000e+00> : vector<200x128xf32>
    %dot_general3A_816 = tpu.matmul %get3A_809, %get3A_814, %dot_general3A_815 {dimension_numbers = #tpu.dot_dimension_numbers<[1], [0], [0], [1], [0, 0, 1, 1], [], []>, transpose_lhs_hint = false} : vector<200x16xbf16>, vector<16x128xbf16>, vector<200x128xf32> -> vector<200x128xf32>
    %add3A_817 = arith.addf %add3A_804, %dot_general3A_816 : vector<200x128xf32>
    %get3A_818 = arith.constant 3 : index
    %get3A_819 = arith.constant 0 : index
    %get3A_820 = arith.constant 0 : index
    %get3A_821 = vector.load %arg8[%get3A_818, %get3A_819, %get3A_820] : memref<8x200x128xbf16, #tpu.memory_space<vmem>>, vector<1x200x128xbf16>
    %get3A_822 = vector.shape_cast %get3A_821 : vector<1x200x128xbf16> to vector<200x128xbf16>
    %get3A_823 = arith.constant 3 : index
    %get3A_824 = arith.constant 0 : index
    %get3A_825 = arith.constant 0 : index
    %get3A_826 = vector.load %arg4[%get3A_823, %get3A_824, %get3A_825] : memref<8x128x128xbf16, #tpu.memory_space<vmem>>, vector<1x128x128xbf16>
    %get3A_827 = vector.shape_cast %get3A_826 : vector<1x128x128xbf16> to vector<128x128xbf16>
    %dot_general3A_828 = arith.constant dense<0.000000e+00> : vector<200x128xf32>
    %dot_general3A_829 = tpu.matmul %get3A_822, %get3A_827, %dot_general3A_828 {dimension_numbers = #tpu.dot_dimension_numbers<[1], [0], [0], [1], [0, 0, 1, 1], [], []>, transpose_lhs_hint = false} : vector<200x128xbf16>, vector<128x128xbf16>, vector<200x128xf32> -> vector<200x128xf32>
    %add3A_830 = arith.addf %add3A_817, %dot_general3A_829 : vector<200x128xf32>
    %get3A_831 = arith.constant 3 : index
    %get3A_832 = arith.constant 0 : index
    %get3A_833 = arith.constant 0 : index
    %get3A_834 = vector.load %arg9[%get3A_831, %get3A_832, %get3A_833] : memref<8x200x16xbf16, #tpu.memory_space<vmem>>, vector<1x200x16xbf16>
    %get3A_835 = vector.shape_cast %get3A_834 : vector<1x200x16xbf16> to vector<200x16xbf16>
    %get3A_836 = arith.constant 3 : index
    %get3A_837 = arith.constant 0 : index
    %get3A_838 = arith.constant 0 : index
    %get3A_839 = vector.load %arg5[%get3A_836, %get3A_837, %get3A_838] : memref<8x16x128xbf16, #tpu.memory_space<vmem>>, vector<1x16x128xbf16>
    %get3A_840 = vector.shape_cast %get3A_839 : vector<1x16x128xbf16> to vector<16x128xbf16>
    %dot_general3A_841 = arith.constant dense<0.000000e+00> : vector<200x128xf32>
    %dot_general3A_842 = tpu.matmul %get3A_835, %get3A_840, %dot_general3A_841 {dimension_numbers = #tpu.dot_dimension_numbers<[1], [0], [0], [1], [0, 0, 1, 1], [], []>, transpose_lhs_hint = false} : vector<200x16xbf16>, vector<16x128xbf16>, vector<200x128xf32> -> vector<200x128xf32>
    %add3A_843 = arith.addf %add3A_830, %dot_general3A_842 : vector<200x128xf32>
    %get3A_844 = arith.constant 4 : index
    %get3A_845 = arith.constant 0 : index
    %get3A_846 = arith.constant 0 : index
    %get3A_847 = vector.load %arg8[%get3A_844, %get3A_845, %get3A_846] : memref<8x200x128xbf16, #tpu.memory_space<vmem>>, vector<1x200x128xbf16>
    %get3A_848 = vector.shape_cast %get3A_847 : vector<1x200x128xbf16> to vector<200x128xbf16>
    %get3A_849 = arith.constant 4 : index
    %get3A_850 = arith.constant 0 : index
    %get3A_851 = arith.constant 0 : index
    %get3A_852 = vector.load %arg4[%get3A_849, %get3A_850, %get3A_851] : memref<8x128x128xbf16, #tpu.memory_space<vmem>>, vector<1x128x128xbf16>
    %get3A_853 = vector.shape_cast %get3A_852 : vector<1x128x128xbf16> to vector<128x128xbf16>
    %dot_general3A_854 = arith.constant dense<0.000000e+00> : vector<200x128xf32>
    %dot_general3A_855 = tpu.matmul %get3A_848, %get3A_853, %dot_general3A_854 {dimension_numbers = #tpu.dot_dimension_numbers<[1], [0], [0], [1], [0, 0, 1, 1], [], []>, transpose_lhs_hint = false} : vector<200x128xbf16>, vector<128x128xbf16>, vector<200x128xf32> -> vector<200x128xf32>
    %add3A_856 = arith.addf %add3A_843, %dot_general3A_855 : vector<200x128xf32>
    %get3A_857 = arith.constant 4 : index
    %get3A_858 = arith.constant 0 : index
    %get3A_859 = arith.constant 0 : index
    %get3A_860 = vector.load %arg9[%get3A_857, %get3A_858, %get3A_859] : memref<8x200x16xbf16, #tpu.memory_space<vmem>>, vector<1x200x16xbf16>
    %get3A_861 = vector.shape_cast %get3A_860 : vector<1x200x16xbf16> to vector<200x16xbf16>
    %get3A_862 = arith.constant 4 : index
    %get3A_863 = arith.constant 0 : index
    %get3A_864 = arith.constant 0 : index
    %get3A_865 = vector.load %arg5[%get3A_862, %get3A_863, %get3A_864] : memref<8x16x128xbf16, #tpu.memory_space<vmem>>, vector<1x16x128xbf16>
    %get3A_866 = vector.shape_cast %get3A_865 : vector<1x16x128xbf16> to vector<16x128xbf16>
    %dot_general3A_867 = arith.constant dense<0.000000e+00> : vector<200x128xf32>
    %dot_general3A_868 = tpu.matmul %get3A_861, %get3A_866, %dot_general3A_867 {dimension_numbers = #tpu.dot_dimension_numbers<[1], [0], [0], [1], [0, 0, 1, 1], [], []>, transpose_lhs_hint = false} : vector<200x16xbf16>, vector<16x128xbf16>, vector<200x128xf32> -> vector<200x128xf32>
    %add3A_869 = arith.addf %add3A_856, %dot_general3A_868 : vector<200x128xf32>
    %get3A_870 = arith.constant 5 : index
    %get3A_871 = arith.constant 0 : index
    %get3A_872 = arith.constant 0 : index
    %get3A_873 = vector.load %arg8[%get3A_870, %get3A_871, %get3A_872] : memref<8x200x128xbf16, #tpu.memory_space<vmem>>, vector<1x200x128xbf16>
    %get3A_874 = vector.shape_cast %get3A_873 : vector<1x200x128xbf16> to vector<200x128xbf16>
    %get3A_875 = arith.constant 5 : index
    %get3A_876 = arith.constant 0 : index
    %get3A_877 = arith.constant 0 : index
    %get3A_878 = vector.load %arg4[%get3A_875, %get3A_876, %get3A_877] : memref<8x128x128xbf16, #tpu.memory_space<vmem>>, vector<1x128x128xbf16>
    %get3A_879 = vector.shape_cast %get3A_878 : vector<1x128x128xbf16> to vector<128x128xbf16>
    %dot_general3A_880 = arith.constant dense<0.000000e+00> : vector<200x128xf32>
    %dot_general3A_881 = tpu.matmul %get3A_874, %get3A_879, %dot_general3A_880 {dimension_numbers = #tpu.dot_dimension_numbers<[1], [0], [0], [1], [0, 0, 1, 1], [], []>, transpose_lhs_hint = false} : vector<200x128xbf16>, vector<128x128xbf16>, vector<200x128xf32> -> vector<200x128xf32>
    %add3A_882 = arith.addf %add3A_869, %dot_general3A_881 : vector<200x128xf32>
    %get3A_883 = arith.constant 5 : index
    %get3A_884 = arith.constant 0 : index
    %get3A_885 = arith.constant 0 : index
    %get3A_886 = vector.load %arg9[%get3A_883, %get3A_884, %get3A_885] : memref<8x200x16xbf16, #tpu.memory_space<vmem>>, vector<1x200x16xbf16>
    %get3A_887 = vector.shape_cast %get3A_886 : vector<1x200x16xbf16> to vector<200x16xbf16>
    %get3A_888 = arith.constant 5 : index
    %get3A_889 = arith.constant 0 : index
    %get3A_890 = arith.constant 0 : index
    %get3A_891 = vector.load %arg5[%get3A_888, %get3A_889, %get3A_890] : memref<8x16x128xbf16, #tpu.memory_space<vmem>>, vector<1x16x128xbf16>
    %get3A_892 = vector.shape_cast %get3A_891 : vector<1x16x128xbf16> to vector<16x128xbf16>
    %dot_general3A_893 = arith.constant dense<0.000000e+00> : vector<200x128xf32>
    %dot_general3A_894 = tpu.matmul %get3A_887, %get3A_892, %dot_general3A_893 {dimension_numbers = #tpu.dot_dimension_numbers<[1], [0], [0], [1], [0, 0, 1, 1], [], []>, transpose_lhs_hint = false} : vector<200x16xbf16>, vector<16x128xbf16>, vector<200x128xf32> -> vector<200x128xf32>
    %add3A_895 = arith.addf %add3A_882, %dot_general3A_894 : vector<200x128xf32>
    %get3A_896 = arith.constant 6 : index
    %get3A_897 = arith.constant 0 : index
    %get3A_898 = arith.constant 0 : index
    %get3A_899 = vector.load %arg8[%get3A_896, %get3A_897, %get3A_898] : memref<8x200x128xbf16, #tpu.memory_space<vmem>>, vector<1x200x128xbf16>
    %get3A_900 = vector.shape_cast %get3A_899 : vector<1x200x128xbf16> to vector<200x128xbf16>
    %get3A_901 = arith.constant 6 : index
    %get3A_902 = arith.constant 0 : index
    %get3A_903 = arith.constant 0 : index
    %get3A_904 = vector.load %arg4[%get3A_901, %get3A_902, %get3A_903] : memref<8x128x128xbf16, #tpu.memory_space<vmem>>, vector<1x128x128xbf16>
    %get3A_905 = vector.shape_cast %get3A_904 : vector<1x128x128xbf16> to vector<128x128xbf16>
    %dot_general3A_906 = arith.constant dense<0.000000e+00> : vector<200x128xf32>
    %dot_general3A_907 = tpu.matmul %get3A_900, %get3A_905, %dot_general3A_906 {dimension_numbers = #tpu.dot_dimension_numbers<[1], [0], [0], [1], [0, 0, 1, 1], [], []>, transpose_lhs_hint = false} : vector<200x128xbf16>, vector<128x128xbf16>, vector<200x128xf32> -> vector<200x128xf32>
    %add3A_908 = arith.addf %add3A_895, %dot_general3A_907 : vector<200x128xf32>
    %get3A_909 = arith.constant 6 : index
    %get3A_910 = arith.constant 0 : index
    %get3A_911 = arith.constant 0 : index
    %get3A_912 = vector.load %arg9[%get3A_909, %get3A_910, %get3A_911] : memref<8x200x16xbf16, #tpu.memory_space<vmem>>, vector<1x200x16xbf16>
    %get3A_913 = vector.shape_cast %get3A_912 : vector<1x200x16xbf16> to vector<200x16xbf16>
    %get3A_914 = arith.constant 6 : index
    %get3A_915 = arith.constant 0 : index
    %get3A_916 = arith.constant 0 : index
    %get3A_917 = vector.load %arg5[%get3A_914, %get3A_915, %get3A_916] : memref<8x16x128xbf16, #tpu.memory_space<vmem>>, vector<1x16x128xbf16>
    %get3A_918 = vector.shape_cast %get3A_917 : vector<1x16x128xbf16> to vector<16x128xbf16>
    %dot_general3A_919 = arith.constant dense<0.000000e+00> : vector<200x128xf32>
    %dot_general3A_920 = tpu.matmul %get3A_913, %get3A_918, %dot_general3A_919 {dimension_numbers = #tpu.dot_dimension_numbers<[1], [0], [0], [1], [0, 0, 1, 1], [], []>, transpose_lhs_hint = false} : vector<200x16xbf16>, vector<16x128xbf16>, vector<200x128xf32> -> vector<200x128xf32>
    %add3A_921 = arith.addf %add3A_908, %dot_general3A_920 : vector<200x128xf32>
    %get3A_922 = arith.constant 7 : index
    %get3A_923 = arith.constant 0 : index
    %get3A_924 = arith.constant 0 : index
    %get3A_925 = vector.load %arg8[%get3A_922, %get3A_923, %get3A_924] : memref<8x200x128xbf16, #tpu.memory_space<vmem>>, vector<1x200x128xbf16>
    %get3A_926 = vector.shape_cast %get3A_925 : vector<1x200x128xbf16> to vector<200x128xbf16>
    %get3A_927 = arith.constant 7 : index
    %get3A_928 = arith.constant 0 : index
    %get3A_929 = arith.constant 0 : index
    %get3A_930 = vector.load %arg4[%get3A_927, %get3A_928, %get3A_929] : memref<8x128x128xbf16, #tpu.memory_space<vmem>>, vector<1x128x128xbf16>
    %get3A_931 = vector.shape_cast %get3A_930 : vector<1x128x128xbf16> to vector<128x128xbf16>
    %dot_general3A_932 = arith.constant dense<0.000000e+00> : vector<200x128xf32>
    %dot_general3A_933 = tpu.matmul %get3A_926, %get3A_931, %dot_general3A_932 {dimension_numbers = #tpu.dot_dimension_numbers<[1], [0], [0], [1], [0, 0, 1, 1], [], []>, transpose_lhs_hint = false} : vector<200x128xbf16>, vector<128x128xbf16>, vector<200x128xf32> -> vector<200x128xf32>
    %add3A_934 = arith.addf %add3A_921, %dot_general3A_933 : vector<200x128xf32>
    %get3A_935 = arith.constant 7 : index
    %get3A_936 = arith.constant 0 : index
    %get3A_937 = arith.constant 0 : index
    %get3A_938 = vector.load %arg9[%get3A_935, %get3A_936, %get3A_937] : memref<8x200x16xbf16, #tpu.memory_space<vmem>>, vector<1x200x16xbf16>
    %get3A_939 = vector.shape_cast %get3A_938 : vector<1x200x16xbf16> to vector<200x16xbf16>
    %get3A_940 = arith.constant 7 : index
    %get3A_941 = arith.constant 0 : index
    %get3A_942 = arith.constant 0 : index
    %get3A_943 = vector.load %arg5[%get3A_940, %get3A_941, %get3A_942] : memref<8x16x128xbf16, #tpu.memory_space<vmem>>, vector<1x16x128xbf16>
    %get3A_944 = vector.shape_cast %get3A_943 : vector<1x16x128xbf16> to vector<16x128xbf16>
    %dot_general3A_945 = arith.constant dense<0.000000e+00> : vector<200x128xf32>
    %dot_general3A_946 = tpu.matmul %get3A_939, %get3A_944, %dot_general3A_945 {dimension_numbers = #tpu.dot_dimension_numbers<[1], [0], [0], [1], [0, 0, 1, 1], [], []>, transpose_lhs_hint = false} : vector<200x16xbf16>, vector<16x128xbf16>, vector<200x128xf32> -> vector<200x128xf32>
    %add3A_947 = arith.addf %add3A_934, %dot_general3A_946 : vector<200x128xf32>
    %get3A_948 = arith.constant 0 : index
    %get3A_949 = arith.constant 0 : index
    %get3A_950 = vector.load %arg6[%get3A_948, %get3A_949] : memref<1x128xf32, #tpu.memory_space<vmem>>, vector<1x128xf32>
    %get3A_951 = vector.shape_cast %get3A_950 : vector<1x128xf32> to vector<128xf32>
    %broadcast_in_dim3A_952 = vector.shape_cast %get3A_951 : vector<128xf32> to vector<1x128xf32>
    %add3A_953 = vector.broadcast %broadcast_in_dim3A_952 : vector<1x128xf32> to vector<200x128xf32>
    %add3A_954 = arith.addf %add3A_947, %add3A_953 : vector<200x128xf32>
    %swap3A_955 = arith.constant 0 : index
    %swap3A_956 = arith.constant 0 : index
    %swap3A_957 = vector.load %arg7[%swap3A_955, %swap3A_956] : memref<200x128xf32, #tpu.memory_space<vmem>>, vector<200x128xf32>
    tpu.vector_store %arg7[%swap3A_955, %swap3A_956], %add3A_954 {strides = array<i32>} : memref<200x128xf32, #tpu.memory_space<vmem>>, vector<200x128xf32>,
    return
  }
  func.func @transform_0(%arg0: i32) -> (i32, i32) {
    %c0_i32 = arith.constant 0 : i32
    %c0_i32_0 = arith.constant 0 : i32
    return %arg0, %c0_i32 : i32, i32
  }
  func.func @transform_1(%arg0: i32) -> (i32, i32) {
    %c0_i32 = arith.constant 0 : i32
    %c0_i32_0 = arith.constant 0 : i32
    return %arg0, %c0_i32 : i32, i32
  }
  func.func @transform_2(%arg0: i32) -> (i32, i32) {
    %c0_i32 = arith.constant 0 : i32
    %c0_i32_0 = arith.constant 0 : i32
    return %arg0, %c0_i32 : i32, i32
  }
  func.func @transform_3(%arg0: i32) -> (i32, i32, i32) {
    %c0_i32 = arith.constant 0 : i32
    %c0_i32_0 = arith.constant 0 : i32
    %c0_i32_1 = arith.constant 0 : i32
    %c0_i32_2 = arith.constant 0 : i32
    return %c0_i32, %c0_i32_0, %c0_i32_1 : i32, i32, i32
  }
  func.func @transform_4(%arg0: i32) -> (i32, i32, i32) {
    %c0_i32 = arith.constant 0 : i32
    %c0_i32_0 = arith.constant 0 : i32
    %c0_i32_1 = arith.constant 0 : i32
    %c0_i32_2 = arith.constant 0 : i32
    return %c0_i32, %c0_i32_0, %c0_i32_1 : i32, i32, i32
  }
  func.func @transform_5(%arg0: i32) -> (i32, i32) {
    %c0_i32 = arith.constant 0 : i32
    %c0_i32_0 = arith.constant 0 : i32
    %c0_i32_1 = arith.constant 0 : i32
    return %c0_i32, %c0_i32_0 : i32, i32
  }
  func.func @transform_6(%arg0: i32) -> (i32, i32) {
    %c0_i32 = arith.constant 0 : i32
    %c0_i32_0 = arith.constant 0 : i32
    return %arg0, %c0_i32 : i32, i32
  }
}

</mosaic_0001>

<sc_bundles>
// kernel: kernel.4.cloned.1.call-start
scs
__scs_entry_jumppad:
0x0: {  	(pc) =	sbr.rel $0x88, $3  }
0x1: {  	(tag) =	ssettag $0x0;
	lr =	simm.s32 $0x1  }
0x2: {  	[smem:$0x3F9B] =	sst lr;
	_ =	strace $0xD0000000  }
0x3: {  	_ = 	snop  }
0x4: {  	_ = 	snop  }
0x5: {  	_ = 	snop  }
0x6: {  	_ = 	snop  }
0x7: {  	_ = 	snop  }
__scs_overlays_trampoline_lowered:
0x8: {  	[smem:$0x3FAA] =	sst s0  }
0x9: {  	[smem:$0x3FAB] =	sst s1  }
0xa: {  	[smem:$0x3FAC] =	sst s2  }
0xb: {  	[smem:$0x3FAD] =	sst s3  }
0xc: {  	[smem:$0x3FAE] =	sst s4  }
0xd: {  	[smem:$0x3FAF] =	sst s5  }
0xe: {  	[smem:$0x3FB0] =	sst s6  }
0xf: {  	[smem:$0x3FB1] =	sst s7  }
0x10: {  	[smem:$0x3FB2] =	sst s8  }
0x11: {  	[smem:$0x3FB3] =	sst s9;
	s0 =	simm.s32 @!p0 $0x0  }
0x12: {  	s1 =	sld [smem:$0x3F99];
	s0 =	simm.s32 @p0 $0x1  }
0x13: {  	[smem:$0x3FB4] =	sst s0;
	s0 =	simm.s32 @!p1 $0x0  }
0x14: {  	s2 =	sld [smem:$0x3F98];
	s0 =	simm.s32 @p1 $0x1  }
0x15: {  	[smem:$0x3FB5] =	sst s0;
	s0 =	simm.s32 @!p2 $0x0  }
0x16: {  	s3 =	sld [smem:$0x3FDB];
	s0 =	simm.s32 @p2 $0x1  }
0x17: {  	s4 =	simm.s32 $0x1BF5;
	[smem:$0x3FB7] =	sst s0  }
0x18: {  	s0 =	sld [smem:$0x3F9A];
	_ =	swait.ge [sflag:s4], $0x0  }
0x19: {  	s7 =	sld [smem:$0x3F9B]  }
0x1a: {  	s8 =	sadd.s32 $0xFFFFE003, lr  }
0x1b: {  	s9 =	sadd.s32 $0xFFFFFEF7, lr;
	s5 =	simm.s32 $0xFFFFFFFF;
	p2 =	slt.u32 s8, $0xFFFFF086  }
0x1c: {  	p1 =	slt.u32 s9, $0xF7A;
	s5 =	simm.s32 @!p2 $0x0  }
0x1d: {  	s5 =	simm.s32 @p1 $0x1;
	p0 =	seq.s32 s7, s2  }
0x1e: {  	s7 =	smul.u32 @!p0 $0xF7A, s2;
	p2 =	seq.s32 @!p0 s5, $0x0  }
0x1f: {  	s9 =	smul.u32 $0xF7A, s1;
	s8 =	simm.s32 @!p0 $0x1BF5;
	p2 =	por !p2, p0  }
0x20: {  	[sflag:s8] =	ssyncset.s32 @!p0 $0xFFFFF086;
	s6 =	sadd.s32 @!p0 s3, s7;
	s7 =	simm.s32 @!p0 $0x108  }
0x21: {  	s3 =	sadd.s32 s3, s9;
	s6 =	sadd.s32 @!p0 $0x88, s6;
	s7 =	simm.s32 @p2 $0x1082  }
0x22: {  	[simem:s7], [sflag:s8] =	dma.local @!p0 [hbm:s6], $0xF7A  }
0x23: {  	s9 =	sor.u32 $0xD0000000, s2;
	s6 =	simm.s32 $0x108;
	_ =	swait.ge @!p0 [sflag:s8], $0x0  }
0x24: {  	s3 =	sadd.s32 $0x88, s3;
	s6 =	simm.s32 @!p1 $0x1082;
	[sflag:s4] =	ssyncset.s32 $0xFFFFF086  }
0x25: {  	[simem:s6], [sflag:s4] =	dma.local [hbm:s3], $0xF7A  }
0x26: {  	[smem:$0x3F9B] =	sst s1;
	(tag) =	ssettag s2;
	_ =	strace s9  }
0x27: {  	s1 =	sld [smem:$0x3FAB]  }
0x28: {  	s2 =	sld [smem:$0x3FAC]  }
0x29: {  	s4 =	sld [smem:$0x3FAE]  }
0x2a: {  	p0 =	seq.s32 s5, $0x0;
	s5 =	sld [smem:$0x3FAF]  }
0x2b: {  	s6 =	sld [smem:$0x3FB0]  }
0x2c: {  	s7 =	sld [smem:$0x3FB1]  }
0x2d: {  	s3 =	simm.s32 $0x108;
	s8 =	sld [smem:$0x3FB2]  }
0x2e: {  	s3 =	simm.s32 @!p0 $0x1082;
	s9 =	sld [smem:$0x3FB3]  }
0x2f: {  	lr =	sadd.s32 s0, s3;
	s0 =	sld [smem:$0x3FAA]  }
0x30: {  	s3 =	sld [smem:$0x3FAD]  }
0x31: {  	[smem:$0x3FB6] =	sst s10  }
0x32: {  	s10 =	sld [smem:$0x3FB4];
	_ =	sdelay $0x3  }
0x33: {  	p0 =	seq.s32 s10, $0x1;
	s10 =	sld [smem:$0x3FB6];
	_ =	sdelay $0x3  }
0x34: {  	[smem:$0x3FB6] =	sst s10  }
0x35: {  	s10 =	sld [smem:$0x3FB5];
	_ =	sdelay $0x3  }
0x36: {  	p1 =	seq.s32 s10, $0x1;
	s10 =	sld [smem:$0x3FB6];
	_ =	sdelay $0x3  }
0x37: {  	[smem:$0x3FB6] =	sst s10  }
0x38: {  	s10 =	sld [smem:$0x3FB7]  }
0x39: {  	_ = 	snop;
	(pc) =	sbr.ind lr, $3  }
0x3a: {  	_ = 	snop  }
0x3b: {  	_ = 	snop  }
0x3c: {  	p2 =	seq.s32 s10, $0x1;
	s10 =	sld [smem:$0x3FB6]  }
0x3d: {  	_ =	shalt  }
0x3e: {  	_ =	shalt  }
0x3f: {  	_ =	shalt  }
0x40: {  	_ =	shalt  }
0x41: {  	_ =	shalt  }
0x42: {  	_ =	shalt  }
0x43: {  	_ =	shalt  }
0x44: {  	_ =	shalt  }
0x45: {  	_ =	shalt  }
0x46: {  	_ =	shalt  }
0x47: {  	_ =	shalt  }
0x48: {  	_ =	shalt  }
0x49: {  	_ =	shalt  }
0x4a: {  	_ =	shalt  }
0x4b: {  	_ =	shalt  }
0x4c: {  	_ =	shalt  }
0x4d: {  	_ =	shalt  }
0x4e: {  	_ =	shalt  }
0x4f: {  	_ =	shalt  }
0x50: {  	_ =	shalt  }
0x51: {  	_ =	shalt  }
0x52: {  	_ =	shalt  }
0x53: {  	_ =	shalt  }
0x54: {  	_ =	shalt  }
0x55: {  	_ =	shalt  }
0x56: {  	_ =	shalt  }
0x57: {  	_ =	shalt  }
0x58: {  	_ =	shalt  }
0x59: {  	_ =	shalt  }
0x5a: {  	_ =	shalt  }
0x5b: {  	_ =	shalt  }
0x5c: {  	_ =	shalt  }
0x5d: {  	_ =	shalt  }
0x5e: {  	_ =	shalt  }
0x5f: {  	_ =	shalt  }
0x60: {  	_ =	shalt  }
0x61: {  	_ =	shalt  }
0x62: {  	_ =	shalt  }
0x63: {  	_ =	shalt  }
0x64: {  	_ =	shalt  }
0x65: {  	_ =	shalt  }
0x66: {  	_ =	shalt  }
0x67: {  	_ =	shalt  }
0x68: {  	_ =	shalt  }
0x69: {  	_ =	shalt  }
0x6a: {  	_ =	shalt  }
0x6b: {  	_ =	shalt  }
0x6c: {  	_ =	shalt  }
0x6d: {  	_ =	shalt  }
0x6e: {  	_ =	shalt  }
0x6f: {  	_ =	shalt  }
0x70: {  	_ =	shalt  }
0x71: {  	_ =	shalt  }
0x72: {  	_ =	shalt  }
0x73: {  	_ =	shalt  }
0x74: {  	_ =	shalt  }
0x75: {  	_ =	shalt  }
0x76: {  	_ =	shalt  }
0x77: {  	_ =	shalt  }
0x78: {  	_ =	shalt  }
0x79: {  	_ =	shalt  }
0x7a: {  	_ =	shalt  }
0x7b: {  	_ =	shalt  }
0x7c: {  	_ =	shalt  }
0x7d: {  	_ =	shalt  }
0x7e: {  	_ =	shalt  }
0x7f: {  	_ =	shalt  }
0x80: {  	_ =	shalt  }
0x81: {  	_ =	shalt  }
0x82: {  	_ =	shalt  }
0x83: {  	_ =	shalt  }
0x84: {  	_ =	shalt  }
0x85: {  	_ =	shalt  }
0x86: {  	_ =	shalt  }
0x87: {  	_ =	shalt  }
.Lfunc_end0:
.L_simem_size_0:
called_computation.2_lowered:
.L_overlay_start_0:
0x88: {  	s2 =	sld [smem:$0x3FD9]  }
0x89: {  	s3 =	sld [smem:$0x3FFE];
	_ =	sdelay $0x1  }
0x8a: {  	s1 =	srdreg.scid  }
0x8b: {  	s0 =	sand.u32 $0x1, s1  }
0x8c: {  	s17 =	sshll.u32 s0, $0xA;
	s2 =	sadd.s32 s3, s2  }
0x8d: {  	s2 =	sadd.s32 s2, s17  }
0x8e: {  	[smem:$0x3FC2] =	sst s2  }
0x8f: {  	_ = 	snop  }
0x90: {  	s2 =	sld [smem:$0x3FD0];
	(tm) =	ssettm $0x1  }
0x91: {  	s18 =	sld [smem:$0x3FFB];
	_ =	sdelay $0x3  }
0x92: {  	_ =	strace s18  }
0x93: {  	s3 =	sld [smem:$0x3FFC];
	_ =	sdelay $0x3  }
0x94: {  	_ =	strace s3  }
0x95: {  	s3 =	sld [smem:$0x3FFD];
	_ =	sdelay $0x3  }
0x96: {  	_ =	strace s3  }
0x97: {  	_ =	strace $0x8FFFFFFF  }
0x98: {  	s19 =	sld [smem:$0x3FDB];
	_ =	sdelay $0x1  }
0x99: {  	s4 =	simm.s32 $_scs_section_size  }
0x9a: {  	s5 =	simm.s32 $_size__tile_overlayer_lowered;
	s6 =	simm.s32 $_tile_overlayer_lowered  }
0x9b: {  	s22 =	simm.s32 $0x1BFF;
	s21 =	sshll.u32 s6, $0x1;
	s3 =	sadd.s32 s4, s19  }
0x9c: {  	s7 =	simm.s32 $0x0;
	s20 =	sshll.u32 s5, $0x1;
	s5 =	sadd.s32 s21, s3  }
0x9d: {  	[timem:s7], [sflag:s22] =	dma.local [hbm:s5], s20  }
0x9e: {  	_ =	swait.ge [sflag:s22], s20  }
0x9f: {  	s4 =	ssub.s32 $0x0, s20;
	[sflag:s22] =	ssyncset.done $0x0  }
0xa0: {  	[sflag:s22] =	ssyncadd.s32 s4;
	_ =	sdelay $0x1  }
0xa1: {  	s23 =	simm.s32 $0x1B8B  }
0xa2: {  	_ =	swait.ge [sflag:s23], $0x1  }
0xa3: {  	[sflag:s23] =	ssyncset.done $0x0  }
0xa4: {  	s25 =	simm.s32 $0x1B8E;
	s24 =	sld [smem:$0x3FFE];
	[sflag:s23] =	ssyncadd.s32 $0xFFFFFFFF  }
0xa5: {  	s26 =	simm.s32 $execute0_lowered;
	[smem:$0x3FD2] =	sst s25  }
0xa6: {  	s5 =	sshll.u32 s26, $0x1;
	_ =	strace $0x80000046;
	[dreg:$0x1] =	wrdreg $0xFFFFFFFF  }
0xa7: {  	s28 =	simm.s32 $_size_execute0_lowered;
	s3 =	sadd.s32 s3, s5;
	[dreg:$0x0] =	wrdreg $0x0  }
0xa8: {  	s5 =	sshll.u32 s28, $0x1;
	[dreg:$0x2] =	wrdreg s3  }
0xa9: {  	[dreg:$0x3] =	wrdreg s5  }
0xaa: {  	[dreg:$0x4] =	wrdreg $0xC0  }
0xab: {  	_ =	task [dreg:s7], $0x5FFFF  }
0xac: {  	[dreg:$0x1] =	wrdreg $0xFFFFFFFF  }
0xad: {  	[dreg:$0x0] =	wrdreg $0x60  }
0xae: {  	[dreg:$0x2] =	wrdreg s2  }
0xaf: {  	[dreg:$0x3] =	wrdreg s24  }
0xb0: {  	[dreg:$0x4] =	wrdreg $0x9  }
0xb1: {  	_ =	task.clear_ibuf [dreg:s7], $0x5FFFF;
	_ =	strace $0x90000046  }
0xb2: {  	s29 =	simm.s32 $0x9;
	_ =	strace $0x80000048  }
0xb3: {  	_ =	swait.ge [sflag:s29], $0x1  }
0xb4: {  	[sflag:s29] =	ssyncadd.s32 $0xFFFFFFFF  }
0xb5: {  	_ =	strace $0x90000048  }
0xb6: {  	_ =	sfence  }
0xb7: {  	s30 =	sld [smem:$0x0];
	_ =	sdelay $0x2  }
0xb8: {  	s31 =	sshll.u32 s1, $0xD;
	s1 =	sshrl.u32 s1, $0x2  }
0xb9: {  	s3 =	sand.u32 $0x4000, s31;
	s1 =	sadd.s32 s1, s30  }
0xba: {  	s0 =	sor.u32 s3, s0;
	s1 =	sshll.u32 s1, $0x11  }
0xbb: {  	s0 =	sor.u32 s1, s0  }
0xbc: {  	s0 =	sadd.s32 $0x8F2B, s0  }
0xbd: {  	[sflag:s0] =	ssyncadd.remote.s32 $0x1  }
0xbe: {  	_ =	sfence.sel $0xFFFF  }
0xbf: {  	[dreg:$0x0] =	wrdreg $0xFFFFFFFF;
	(pc) =	sbr.abs _section_cstart, $3  }
0xc0: {  	[dreg:$0x1] =	wrdreg $0xFFFFFFFF  }
0xc1: {  	_ =	task.clear_ibuf [dreg:s7], $0x2FFFF;
	_ =	strace $0x9FFFFFFF  }
0xc2: {  	(tm) =	ssettm $0x7FFFFFFF  }
0xc3: {  	_ =	shalt  }
tec
execute0_lowered:
.L_overlay_start_1:
0x0: {  	(tag) =	ssettag $0x1  }
0x1: {  	s2 =	rddreg [dreg:$0x0]  }
0x2: {  	s4 =	rddreg [dreg:$0x1]  }
0x3: {  	s0 =	rddreg [dreg:$0x2]  }
0x4: {  	s5 =	srdreg.scid;
	s1 =	stileid.u32;
	s3 =	simm.s32 $0x0  }
0x5: {  	s10 =	simm.s32 $0x1590;
	s11 =	simm.s32 $0xA0;
	s12 =	simm.s32 $0x2990  }
0x6: {  	s13 =	simm.s32 $0xF0;
	s14 =	simm.s32 $0x3D90;
	s15 =	simm.s32 $0x140  }
0x7: {  	s16 =	simm.s32 $0x5190;
	s17 =	simm.s32 $0x1;
	s6 =	smul.u32 $0x4E20, s1  }
0x8: {  	s18 =	simm.s32 $0x0;
	s5 =	sand.u32 $0x1, s5;
	s8 =	smul.u32 $0x27100, s1  }
0x9: {  	[smem:$0x7FF] =	sst s3;
	s7 =	smul.u32 $0x2710, s5;
	s30 =	ssub.s32 $0x2, s5  }
0xa: {  	_ =	strace $0x80000047;
	s5 =	smul.u32 $0x13880, s5;
	s9 =	sshrl.u32 s30, $0x1  }
0xb: {  	s8 =	sadd.s32 s8, s4;
	s6 =	sadd.s32 s7, s6;
	s31 =	ssub.s32 s30, s9  }
0xc: {  	s5 =	sadd.s32 s5, s8;
	s7 =	simm.s32 $0x2;
	s6 =	sshrl.u32 s6, $0x3  }
0xd: {  	s8 =	simm.s32 $0x50;
	s9 =	simm.s32 $0x190;
	s6 =	sadd.s32 s6, s4  }
0xe: {  	s5 =	sadd.s32 $0xC200, s5;
	s4 =	smax.u32 s31, $0x1;
	s6 =	sadd.s32 $0x2400, s6  }
.LBB2_1:
0xf: {  	s19 =	sadd.s32 $0x0, s6  }
0x10: {  	[tilespmem:s3], [sflag:$0x2] =	stream.linear.gather [hbm4b:s19+s3], $0x190, $0x38;
	[tilespmem:$0x6590] =	vst v63  }
0x11: {  	_ =	swait.ge [sflag:s7], $0x190  }
0x12: {  	[sflag:s7] =	ssyncset.done $0x0  }
0x13: {  	[sflag:s7] =	ssyncadd.s32 $0xFFFFFE70  }
0x14: {  	[tilespmem:s9], [sflag:$0x1] =	stream.indirect.gather [hbm4b:s2+s8], $0x40, s3, s8, $0xb8;
	[tilespmem:$0x6590] =	vst v63  }
0x15: {  	_ = 	snop  }
0x16: {  	[tilespmem:s10], [sflag:$0x1] =	stream.indirect.gather [hbm4b:s2+s8], $0x40, s8, s8, $0xb8;
	[tilespmem:$0x6590] =	vst v63  }
0x17: {  	_ = 	snop  }
0x18: {  	[tilespmem:s12], [sflag:$0x1] =	stream.indirect.gather [hbm4b:s2+s8], $0x40, s11, s8, $0xb8;
	[tilespmem:$0x6590] =	vst v63  }
0x19: {  	_ = 	snop  }
0x1a: {  	[tilespmem:s14], [sflag:$0x1] =	stream.indirect.gather [hbm4b:s2+s8], $0x40, s13, s8, $0xb8;
	[tilespmem:$0x6590] =	vst v63  }
0x1b: {  	_ = 	snop  }
0x1c: {  	[tilespmem:s16], [sflag:$0x1] =	stream.indirect.gather [hbm4b:s2+s8], $0x40, s15, s8, $0xb8;
	[tilespmem:$0x6590] =	vst v63  }
0x1d: {  	_ =	swait.ge [sflag:s17], $0x1400  }
0x1e: {  	[sflag:s17] =	ssyncset.done $0x0  }
0x1f: {  	[sflag:s17] =	ssyncadd.s32 $0xFFFFEC00  }
0x20: {  	_ =	swait.ge [sflag:s17], $0x1400  }
0x21: {  	[sflag:s17] =	ssyncset.done $0x0  }
0x22: {  	[sflag:s17] =	ssyncadd.s32 $0xFFFFEC00  }
0x23: {  	_ =	swait.ge [sflag:s17], $0x1400  }
0x24: {  	[sflag:s17] =	ssyncset.done $0x0  }
0x25: {  	[sflag:s17] =	ssyncadd.s32 $0xFFFFEC00  }
0x26: {  	_ =	swait.ge [sflag:s17], $0x1400  }
0x27: {  	[sflag:s17] =	ssyncset.done $0x0  }
0x28: {  	[sflag:s17] =	ssyncadd.s32 $0xFFFFEC00  }
0x29: {  	_ =	swait.ge [sflag:s17], $0x1400  }
0x2a: {  	[sflag:s17] =	ssyncset.done $0x0  }
0x2b: {  	[sflag:s17] =	ssyncadd.s32 $0xFFFFEC00  }
0x2c: {  	[hbm4b:s5+s3] =	stream.linear.scatter [tilespmem:s9], [sflag:$0x2], $0x6400, $0x38;
	[tilespmem:$0x6590] =	vst v63  }
0x2d: {  	s20 =	simm.s32 $0x32;
	_ =	swait.ge [sflag:s7], $0x6400  }
0x2e: {  	s21 =	simm.s32 $0x64;
	s19 =	sadd.s32 $0xC80, s5;
	[sflag:s7] =	ssyncset.done $0x0  }
.LBB2_2:
0x2f: {  	s22 =	sadd.s32 s20, s6  }
0x30: {  	[sflag:s7] =	ssyncadd.s32 $0xFFFF9C00;
	s20 =	smov.u32 s21;
	s23 =	sadd.s32 $0x32, s21  }
0x31: {  	[tilespmem:s3], [sflag:$0x2] =	stream.linear.gather [hbm4b:s22+s3], $0x190, $0x38;
	[tilespmem:$0x6590] =	vst v63  }
0x32: {  	p0 =	sne.s32 s21, $0x4B0;
	_ =	swait.ge [sflag:s7], $0x190  }
0x33: {  	[sflag:s7] =	ssyncset.done $0x0  }
0x34: {  	[sflag:s7] =	ssyncadd.s32 $0xFFFFFE70  }
0x35: {  	[tilespmem:s9], [sflag:$0x1] =	stream.indirect.gather [hbm4b:s2+s8], $0x40, s3, s8, $0xb8;
	[tilespmem:$0x6590] =	vst v63  }
0x36: {  	_ = 	snop  }
0x37: {  	[tilespmem:s10], [sflag:$0x1] =	stream.indirect.gather [hbm4b:s2+s8], $0x40, s8, s8, $0xb8;
	[tilespmem:$0x6590] =	vst v63  }
0x38: {  	_ = 	snop  }
0x39: {  	[tilespmem:s12], [sflag:$0x1] =	stream.indirect.gather [hbm4b:s2+s8], $0x40, s11, s8, $0xb8;
	[tilespmem:$0x6590] =	vst v63  }
0x3a: {  	_ = 	snop  }
0x3b: {  	[tilespmem:s14], [sflag:$0x1] =	stream.indirect.gather [hbm4b:s2+s8], $0x40, s13, s8, $0xb8;
	[tilespmem:$0x6590] =	vst v63  }
0x3c: {  	_ = 	snop  }
0x3d: {  	[tilespmem:s16], [sflag:$0x1] =	stream.indirect.gather [hbm4b:s2+s8], $0x40, s15, s8, $0xb8;
	[tilespmem:$0x6590] =	vst v63  }
0x3e: {  	_ =	swait.ge [sflag:s17], $0x1400  }
0x3f: {  	[sflag:s17] =	ssyncset.done $0x0  }
0x40: {  	[sflag:s17] =	ssyncadd.s32 $0xFFFFEC00  }
0x41: {  	_ =	swait.ge [sflag:s17], $0x1400  }
0x42: {  	[sflag:s17] =	ssyncset.done $0x0  }
0x43: {  	[sflag:s17] =	ssyncadd.s32 $0xFFFFEC00  }
0x44: {  	_ =	swait.ge [sflag:s17], $0x1400  }
0x45: {  	[sflag:s17] =	ssyncset.done $0x0  }
0x46: {  	[sflag:s17] =	ssyncadd.s32 $0xFFFFEC00  }
0x47: {  	_ =	swait.ge [sflag:s17], $0x1400  }
0x48: {  	[sflag:s17] =	ssyncset.done $0x0  }
0x49: {  	[sflag:s17] =	ssyncadd.s32 $0xFFFFEC00  }
0x4a: {  	_ =	swait.ge [sflag:s17], $0x1400  }
.Ltmp0:
0x4b: {  	[sflag:s17] =	ssyncset.done $0x0;
	(pc) =	sbr.rel @p0 .LBB2_2-.Ltmp0, $4  }
0x4c: {  	[sflag:s17] =	ssyncadd.s32 $0xFFFFEC00  }
0x4d: {  	[hbm4b:s19+s3] =	stream.linear.scatter [tilespmem:s9], [sflag:$0x2], $0x6400, $0x38;
	[tilespmem:$0x6590] =	vst v63  }
0x4e: {  	_ =	swait.ge [sflag:s7], $0x6400  }
0x4f: {  	s21 =	smov.u32 s23;
	s19 =	sadd.s32 $0xC80, s19;
	[sflag:s7] =	ssyncset.done $0x0  }
0x50: {  	s20 =	sadd.s32 s20, s6;
	[sflag:s7] =	ssyncadd.s32 $0xFFFF9C00  }
0x51: {  	[tilespmem:s3], [sflag:$0x2] =	stream.linear.gather [hbm4b:s20+s3], $0x190, $0x38;
	[tilespmem:$0x6590] =	vst v63  }
0x52: {  	_ =	swait.ge [sflag:s7], $0x190  }
0x53: {  	[sflag:s7] =	ssyncset.done $0x0  }
0x54: {  	[sflag:s7] =	ssyncadd.s32 $0xFFFFFE70  }
0x55: {  	[tilespmem:s9], [sflag:$0x1] =	stream.indirect.gather [hbm4b:s2+s8], $0x40, s3, s8, $0xb8;
	[tilespmem:$0x6590] =	vst v63  }
0x56: {  	_ = 	snop  }
0x57: {  	[tilespmem:s10], [sflag:$0x1] =	stream.indirect.gather [hbm4b:s2+s8], $0x40, s8, s8, $0xb8;
	[tilespmem:$0x6590] =	vst v63  }
0x58: {  	_ = 	snop  }
0x59: {  	[tilespmem:s12], [sflag:$0x1] =	stream.indirect.gather [hbm4b:s2+s8], $0x40, s11, s8, $0xb8;
	[tilespmem:$0x6590] =	vst v63  }
0x5a: {  	_ = 	snop  }
0x5b: {  	[tilespmem:s14], [sflag:$0x1] =	stream.indirect.gather [hbm4b:s2+s8], $0x40, s13, s8, $0xb8;
	[tilespmem:$0x6590] =	vst v63  }
0x5c: {  	_ = 	snop  }
0x5d: {  	[tilespmem:s16], [sflag:$0x1] =	stream.indirect.gather [hbm4b:s2+s8], $0x40, s15, s8, $0xb8;
	[tilespmem:$0x6590] =	vst v63  }
0x5e: {  	_ =	swait.ge [sflag:s17], $0x1400  }
0x5f: {  	[sflag:s17] =	ssyncset.done $0x0  }
0x60: {  	[sflag:s17] =	ssyncadd.s32 $0xFFFFEC00  }
0x61: {  	_ =	swait.ge [sflag:s17], $0x1400  }
0x62: {  	[sflag:s17] =	ssyncset.done $0x0  }
0x63: {  	[sflag:s17] =	ssyncadd.s32 $0xFFFFEC00  }
0x64: {  	_ =	swait.ge [sflag:s17], $0x1400  }
0x65: {  	[sflag:s17] =	ssyncset.done $0x0  }
0x66: {  	[sflag:s17] =	ssyncadd.s32 $0xFFFFEC00  }
0x67: {  	_ =	swait.ge [sflag:s17], $0x1400  }
0x68: {  	[sflag:s17] =	ssyncset.done $0x0  }
0x69: {  	[sflag:s17] =	ssyncadd.s32 $0xFFFFEC00  }
0x6a: {  	s18 =	sadd.s32 $0x1, s18;
	_ =	swait.ge [sflag:s17], $0x1400  }
0x6b: {  	p0 =	sne.s32 s18, s4;
	[sflag:s17] =	ssyncset.done $0x0  }
.Ltmp1:
0x6c: {  	[sflag:s17] =	ssyncadd.s32 $0xFFFFEC00;
	(pc) =	sbr.rel @p0 .LBB2_1-.Ltmp1, $4  }
0x6d: {  	[hbm4b:s19+s3] =	stream.linear.scatter [tilespmem:s9], [sflag:$0x2], $0x6400, $0x38;
	[tilespmem:$0x6590] =	vst v63  }
0x6e: {  	_ =	swait.ge [sflag:s7], $0x6400  }
0x6f: {  	[sflag:s7] =	ssyncset.done $0x0  }
0x70: {  	[sflag:s7] =	ssyncadd.s32 $0xFFFF9C00  }
0x71: {  	_ =	sfence.sel $0x180000  }
0x72: {  	[bflag:$0x0] =	sbarrier.arrive $0xFFFF  }
0x73: {  	p0 =	sne.s32 s1, $0x0;
	_ =	strace $0x90000047  }
0x74: {  	s0 =	sadd.s32 @!p0 $0x100000, s0;
	[bflag:$0x2] =	sbarrier.arrive $0xFFFF  }
0x75: {  	[sflag:s0] =	ssyncadd.tile.s32 @!p0 $0x1;
	_ =	shalt  }
.Lfunc_end2:
_tile_overlayer_lowered:
.L_overlay_start_2:
0x76: {  	(tag) =	ssettag $0x2  }
0x77: {  	s0 =	rddreg [dreg:$0x0];
	s2 =	stileid.u32  }
0x78: {  	s1 =	rddreg [dreg:$0x1];
	p0 =	sne.s32 s2, $0x0  }
0x79: {  	s3 =	rddreg [dreg:$0x2];
	[bflag:$0x3] =	sbarrier.arrive $0xFFFF;
	s2 =	simm.s32 @!p0 $0x1C02  }
0x7a: {  	[timem:s3], [sflag:s2] =	dma.local @!p0 [hbm:s0], s1  }
0x7b: {  	s0 =	simm.s32 @!p0 $0x2  }
0x7c: {  	_ =	swait.ge @!p0 [sflag:s0], s1  }
0x7d: {  	s1 =	ssub.s32 @!p0 $0x0, s1;
	[sflag:s0] =	ssyncset.done @!p0 $0x0  }
0x7e: {  	[sflag:s0] =	ssyncadd.s32 @!p0 s1  }
0x7f: {  	[bflag:$0x3] =	sbarrier.arrive $0xFFFF  }
0x80: {  	_ =	shalt  }

// kernel: sparse-core-data-format-call.1.cloned.1.call-start
scs
called_computation.1_lowered:
.L_overlay_start_0:
0x0: {  	s1 =	sld [smem:$0x3FD9]  }
0x1: {  	s2 =	sld [smem:$0x3FFE];
	_ =	sdelay $0x1  }
0x2: {  	s3 =	srdreg.scid  }
0x3: {  	s0 =	sand.u32 $0x1, s3  }
0x4: {  	s17 =	sshll.u32 s0, $0xA;
	s1 =	sadd.s32 s2, s1  }
0x5: {  	s1 =	sadd.s32 s1, s17  }
0x6: {  	[smem:$0x3FC2] =	sst s1  }
0x7: {  	_ = 	snop  }
0x8: {  	(tm) =	ssettm $0x1  }
0x9: {  	s18 =	sld [smem:$0x3FFB];
	_ =	sdelay $0x3  }
0xa: {  	_ =	strace s18  }
0xb: {  	s1 =	sld [smem:$0x3FFC];
	_ =	sdelay $0x3  }
0xc: {  	_ =	strace s1  }
0xd: {  	s1 =	sld [smem:$0x3FFD];
	_ =	sdelay $0x3  }
0xe: {  	_ =	strace s1  }
0xf: {  	_ =	strace $0x8FFFFFFF  }
0x10: {  	s19 =	sld [smem:$0x3FDB];
	_ =	sdelay $0x1  }
0x11: {  	s20 =	simm.s32 $_scs_section_size  }
0x12: {  	s4 =	simm.s32 $_size__tile_overlayer_lowered;
	s5 =	simm.s32 $_tile_overlayer_lowered  }
0x13: {  	s23 =	simm.s32 $0x1BFF;
	s22 =	sshll.u32 s5, $0x1;
	s1 =	sadd.s32 s20, s19  }
0x14: {  	s6 =	simm.s32 $0x0;
	s21 =	sshll.u32 s4, $0x1;
	s4 =	sadd.s32 s22, s1  }
0x15: {  	[timem:s6], [sflag:s23] =	dma.local [hbm:s4], s21  }
0x16: {  	_ =	swait.ge [sflag:s23], s21  }
0x17: {  	s2 =	ssub.s32 $0x0, s21;
	[sflag:s23] =	ssyncset.done $0x0  }
0x18: {  	[sflag:s23] =	ssyncadd.s32 s2;
	_ =	sdelay $0x1  }
0x19: {  	s24 =	simm.s32 $0x1B8B  }
0x1a: {  	_ =	swait.ge [sflag:s24], $0x1  }
0x1b: {  	[sflag:s24] =	ssyncset.done $0x0  }
0x1c: {  	s26 =	simm.s32 $0x1B8E;
	s25 =	sld [smem:$0x3FFE];
	[sflag:s24] =	ssyncadd.s32 $0xFFFFFFFF  }
0x1d: {  	s27 =	simm.s32 $execute0_lowered;
	[smem:$0x3FD2] =	sst s26  }
0x1e: {  	s4 =	sshll.u32 s27, $0x1;
	_ =	strace $0x80000049;
	[dreg:$0x1] =	wrdreg $0xFFFFFFFF  }
0x1f: {  	s28 =	simm.s32 $_size_execute0_lowered;
	s1 =	sadd.s32 s1, s4;
	[dreg:$0x0] =	wrdreg $0x0  }
0x20: {  	s4 =	sshll.u32 s28, $0x1;
	[dreg:$0x2] =	wrdreg s1  }
0x21: {  	[dreg:$0x3] =	wrdreg s4  }
0x22: {  	[dreg:$0x4] =	wrdreg $0xC0  }
0x23: {  	_ =	task [dreg:s6], $0x5FFFF  }
0x24: {  	[dreg:$0x1] =	wrdreg $0xFFFFFFFF  }
0x25: {  	[dreg:$0x0] =	wrdreg $0x60  }
0x26: {  	[dreg:$0x2] =	wrdreg s25  }
0x27: {  	[dreg:$0x3] =	wrdreg $0x9  }
0x28: {  	_ =	task.clear_ibuf [dreg:s6], $0x4FFFF;
	_ =	strace $0x90000049  }
0x29: {  	s29 =	simm.s32 $0x9;
	_ =	strace $0x8000004B  }
0x2a: {  	_ =	swait.ge [sflag:s29], $0x1  }
0x2b: {  	[sflag:s29] =	ssyncadd.s32 $0xFFFFFFFF  }
0x2c: {  	_ =	strace $0x9000004B  }
0x2d: {  	_ =	sfence  }
0x2e: {  	s30 =	sld [smem:$0x0];
	_ =	sdelay $0x2  }
0x2f: {  	s31 =	sshll.u32 s3, $0xD;
	s3 =	sshrl.u32 s3, $0x2  }
0x30: {  	s2 =	sand.u32 $0x4000, s31;
	s1 =	sadd.s32 s3, s30  }
0x31: {  	s0 =	sor.u32 s2, s0;
	s1 =	sshll.u32 s1, $0x11  }
0x32: {  	s0 =	sor.u32 s1, s0  }
0x33: {  	s0 =	sadd.s32 $0x8F2B, s0  }
0x34: {  	[sflag:s0] =	ssyncadd.remote.s32 $0x1  }
0x35: {  	_ =	sfence.sel $0xFFFF  }
0x36: {  	[dreg:$0x0] =	wrdreg $0xFFFFFFFF;
	(pc) =	sbr.abs _section_cstart, $3  }
0x37: {  	[dreg:$0x1] =	wrdreg $0xFFFFFFFF  }
0x38: {  	_ =	task.clear_ibuf [dreg:s6], $0x2FFFF;
	_ =	strace $0x9FFFFFFF  }
0x39: {  	(tm) =	ssettm $0x7FFFFFFF  }
tec
execute0_lowered:
.L_overlay_start_1:
0x0: {  	(tag) =	ssettag $0x1  }
0x1: {  	s0 =	srdreg.scid  }
0x2: {  	s1 =	sshll.u32 s0, $0x4  }
0x3: {  	s4 =	rddreg [dreg:$0x0];
	s0 =	stileid.u32;
	s1 =	sand.u32 $0x10, s1  }
0x4: {  	s7 =	simm.s32 $0x1;
	s8 =	simm.s32 $0x2;
	s2 =	sor.u32 s0, s1  }
0x5: {  	s11 =	simm.s32 $0x0;
	s10 =	simm.s32 $0x0;
	s2 =	sshll.u32 s2, $0x7  }
0x6: {  	s3 =	sadd.s32 $0x75F200, s4;
	s4 =	sadd.s32 $0x2400, s4;
	s6 =	ssub.s32 $0x4E200, s2  }
.Ltmp0:
0x7: {  	s1 =	rddreg [dreg:$0x1];
	s5 =	sand.u32 $0xF80, s6;
	(pc) =	sbr.rel .LBB1_1-.Ltmp0, $4  }
0x8: {  	_ =	strace $0x8000004A;
	s9 =	smov.u32 s2;
	p0 =	sne.s32 s5, $0x0  }
0x9: {  	s6 =	sshrl.u32 s6, $0xC;
	s5 =	simm.s32 $0x1;
	s7 =	simm.s32 @!p0 $0x0  }
0xa: {  	[sflag:s5] =	ssyncpa.u1 $0x0;
	p0 =	por $0x0, $0x0;
	s6 =	sadd.s32 s7, s6  }
0xb: {  	[sflag:s8] =	ssyncpa.u1 $0x0;
	s8 =	simm.s32 $0x271000;
	s7 =	sadd.s32 $0x1, s6  }
.LBB1_4:
0xc: {  	s14 =	sshll.u32 s11, $0x3  }
0xd: {  	s30 =	sand.u32 $0x7F, s11;
	s14 =	sand.u32 $0xFFFFFC00, s14  }
0xe: {  	s11 =	sor.u32 s30, s14  }
0xf: {  	s15 =	smulhi.u32 $0xD1B71759, s11;
	_ =	sdelay $0x1  }
0x10: {  	s14 =	smulhi.u32 $0xD1B71759, s14;
	s15 =	sshrl.u32 s15, $0x12  }
0x11: {  	s15 =	smul.u32 $0x4E200, s15  }
0x12: {  	s14 =	sshrl.u32 s14, $0x12  }
0x13: {  	s14 =	sand.u32 $0x3F, s14;
	s11 =	ssub.s32 s11, s15  }
0x14: {  	[tilespmem:s13+$0x810 ss:$0x81] =	vst.msk $0xffff, v2;
	s14 =	smul.u32 $0x9C40, s14;
	s15 =	sshrl.u32 s11, $0x3;
	s11 =	sand.u32 $0x7, s11  }
0x15: {  	[tilespmem:s13+$0x1020 ss:$0x81] =	vst.msk $0xffff, v0;
	s15 =	sadd.s32 s4, s15;
	s11 =	sshll.u32 s11, $0x12  }
0x16: {  	[tilespmem:s13+$0x0 ss:$0x81] =	vst.msk $0xffff, v1;
	s31 =	sadd.s32 s14, s15;
	s11 =	sor.u32 $0x400, s11  }
0x17: {  	[hbm4b:s31+s11] =	stream.strided.scatter [tilespmem:s12], [sflag:$0x2], $0x2000, s8, s11, $0x20;
	[tilespmem:$0x8080] =	vst v63  }
.LBB1_5:
0x18: {  	s13 =	sadd.s32 $0x1000, s9  }
0x19: {  	p2 =	sgt.s32 s13, $0x4E1FF  }
0x1a: {  	s13 =	smov.u32 @p2 s2;
	p2 =	sne.s32 s10, s7  }
.Ltmp1:
0x1b: {  	p1 =	slt.u32 s10, $0x2;
	(pc) =	sbr.rel @!p2 .LBB1_6-.Ltmp1, $4  }
0x1c: {  	s12 =	simm.s32 @!p1 $0x2  }
0x1d: {  	s14 =	sadd.s32 $0x1, s10;
	_ =	swait.ge @!p1 [sflag:s12], $0x2000  }
0x1e: {  	s11 =	smov.u32 s9;
	p0 =	por !p0, !p0;
	[sflag:s12] =	ssyncset.done @!p1 $0x0  }
0x1f: {  	s10 =	smov.u32 s14;
	s9 =	smov.u32 s13;
	[sflag:s12] =	ssyncadd.s32 @!p1 $0xFFFFE000  }
.LBB1_1:
0x20: {  	p1 =	sge.u32 s10, s6  }
0x21: {  	s12 =	sand.u32 @!p1 $0x1FFFFFF, s9  }
0x22: {  	s13 =	smulhi.u32 @!p1 $0x1A36E2F, s12;
	_ =	sdelay $0x1  }
0x23: {  	s13 =	sshrl.u32 @!p1 s13, $0xB  }
0x24: {  	s13 =	smul.u32 @!p1 $0x4E200, s13;
	_ =	sdelay $0x1  }
0x25: {  	s31 =	sadd.s32 $0xFFFFFFFF, s10;
	s14 =	sxor.u32 @!p1 $0xFFFFFFFF, s10;
	s12 =	ssub.s32 @!p1 s12, s13  }
0x26: {  	s15 =	simm.s32 @!p1 $0x80;
	s14 =	sshll.u32 @!p1 s14, $0xD;
	s12 =	sshll.u32 @!p1 s12, $0x4  }
0x27: {  	s13 =	sand.u32 @!p1 $0x2000, s14;
	s14 =	simm.s32 @!p1 $0x40;
	s12 =	sadd.s32 @!p1 s3, s12  }
0x28: {  	[tilespmem:s13], [sflag:$0x1] =	stream.strided.gather @!p1 [hbm4b:s12+s14], $0x2000, s15, s14, $0x38;
	[tilespmem:$0x8080] =	vst v63  }
0x29: {  	p1 =	sge.u32 s31, s6  }
.Ltmp2:
0x2a: {  	_ = 	snop;
	(pc) =	sbr.rel @p1 .LBB1_5-.Ltmp2, $1  }
0x2b: {  	_ =	sdelay $0x3  }
0x2c: {  	s12 =	simm.s32 $0x1  }
0x2d: {  	_ =	swait.ge [sflag:s5], $0x2000;
	s12 =	simm.s32 @!p0 $0x0  }
0x2e: {  	[sflag:s5] =	ssyncset.done $0x0;
	s13 =	sshll.u32 s12, $0xD  }
0x2f: {  	[sflag:s5] =	ssyncadd.s32 $0xFFFFE000;
	s16 =	sor.u32 $0x20, s13  }
0x30: {  	s12 =	smul.u32 $0x8100, s12;
	v3 =	vld [tilespmem:s16+$0x10]  }
0x31: {  	s30 =	sand.u32 $0x1, s10;
	v2 =	vld [tilespmem:s16+$0xFFFFFFF0]  }
0x32: {  	s13 =	smul.u32 $0x8100, s30;
	s12 =	sshrl.u32 s12, $0x2;
	v0 =	vld [tilespmem:s16+$0x0]  }
0x33: {  	v1 =	vld [tilespmem:s16+$0xFFFFFFE0];
	s14 =	sor.u32 $0x4000, s12  }
0x34: {  	s31 =	sshrl.u32 s13, $0x2;
	s13 =	sadd.s32 $0x0, s14  }
0x35: {  	s15 =	simm.s32 $0x4;
	s16 =	sadd.s32 $0x40, s16;
	s12 =	sor.u32 $0x4000, s31;
	[tilespmem:s13+$0x1830 ss:$0x81] =	vst.msk $0xffff, v3  }
.LBB1_3:
0x36: {  	v3 =	vld [tilespmem:s16+$0x10];
	p1 =	sne.s32 s15, $0x1FC;
	[tilespmem:s13+$0x810 ss:$0x81] =	vst.msk $0xffff, v2;
	s17 =	smov.u32 s15;
	s15 =	sadd.s32 $0x4, s15  }
.Ltmp3:
0x37: {  	v2 =	vld [tilespmem:s16+$0xFFFFFFF0];
	[tilespmem:s13+$0x1020 ss:$0x81] =	vst.msk $0xffff, v0;
	(pc) =	sbr.rel @p1 .LBB1_3-.Ltmp3, $4  }
0x38: {  	v0 =	vld [tilespmem:s16+$0x0];
	[tilespmem:s13+$0x0 ss:$0x81] =	vst.msk $0xffff, v1  }
0x39: {  	s13 =	sshra.s32 s17, $0x2;
	v1 =	vld [tilespmem:s16+$0xFFFFFFE0]  }
0x3a: {  	s13 =	sadd.s32 s13, s14  }
0x3b: {  	s16 =	sadd.s32 $0x40, s16;
	[tilespmem:s13+$0x1830 ss:$0x81] =	vst.msk $0xffff, v3  }
.Ltmp4:
0x3c: {  	_ = 	snop;
	(pc) =	sbr.rel .LBB1_4-.Ltmp4, $1  }
0x3d: {  	_ =	sdelay $0x3  }
.LBB1_6:
0x3e: {  	_ =	sfence.sel $0x180000  }
0x3f: {  	s2 =	simm.s32 $0x1;
	[bflag:$0x0] =	sbarrier.arrive $0xFFFF  }
0x40: {  	s31 =	simm.s32 $0x2;
	[sflag:s2] =	ssyncpa.u1 $0x1  }
0x41: {  	[sflag:s31] =	ssyncpa.u1 $0x1  }
0x42: {  	p0 =	sne.s32 s0, $0x0;
	_ =	strace $0x9000004A  }
0x43: {  	s0 =	sadd.s32 @!p0 $0x100000, s1;
	[bflag:$0x2] =	sbarrier.arrive $0xFFFF  }
0x44: {  	[sflag:s0] =	ssyncadd.tile.s32 @!p0 $0x1;
	_ =	shalt  }
.Lfunc_end1:
_tile_overlayer_lowered:
.L_overlay_start_2:
0x45: {  	(tag) =	ssettag $0x2  }
0x46: {  	s0 =	rddreg [dreg:$0x0];
	s2 =	stileid.u32  }
0x47: {  	s1 =	rddreg [dreg:$0x1];
	p0 =	sne.s32 s2, $0x0  }
0x48: {  	s3 =	rddreg [dreg:$0x2];
	[bflag:$0x3] =	sbarrier.arrive $0xFFFF;
	s2 =	simm.s32 @!p0 $0x1C01  }
0x49: {  	[timem:s3], [sflag:s2] =	dma.local @!p0 [hbm:s0], s1  }
0x4a: {  	s0 =	simm.s32 @!p0 $0x1  }
0x4b: {  	_ =	swait.ge @!p0 [sflag:s0], s1  }
0x4c: {  	s1 =	ssub.s32 @!p0 $0x0, s1;
	[sflag:s0] =	ssyncset.done @!p0 $0x0  }
0x4d: {  	[sflag:s0] =	ssyncadd.s32 @!p0 s1  }
0x4e: {  	[bflag:$0x3] =	sbarrier.arrive $0xFFFF  }
0x4f: {  	_ =	shalt  }

// kernel: sparse-core-data-format-call.cloned.1.call-start
scs
called_computation_lowered:
.L_overlay_start_0:
0x0: {  	s1 =	sld [smem:$0x3FD9]  }
0x1: {  	s2 =	sld [smem:$0x3FFE];
	_ =	sdelay $0x1  }
0x2: {  	s3 =	srdreg.scid  }
0x3: {  	s0 =	sand.u32 $0x1, s3  }
0x4: {  	s17 =	sshll.u32 s0, $0xA;
	s1 =	sadd.s32 s2, s1  }
0x5: {  	s1 =	sadd.s32 s1, s17  }
0x6: {  	[smem:$0x3FC2] =	sst s1  }
0x7: {  	_ = 	snop  }
0x8: {  	(tm) =	ssettm $0x1  }
0x9: {  	s18 =	sld [smem:$0x3FFB];
	_ =	sdelay $0x3  }
0xa: {  	_ =	strace s18  }
0xb: {  	s1 =	sld [smem:$0x3FFC];
	_ =	sdelay $0x3  }
0xc: {  	_ =	strace s1  }
0xd: {  	s1 =	sld [smem:$0x3FFD];
	_ =	sdelay $0x3  }
0xe: {  	_ =	strace s1  }
0xf: {  	_ =	strace $0x8FFFFFFF  }
0x10: {  	s19 =	sld [smem:$0x3FDB];
	_ =	sdelay $0x1  }
0x11: {  	s20 =	simm.s32 $_scs_section_size  }
0x12: {  	s4 =	simm.s32 $_size__tile_overlayer_lowered;
	s5 =	simm.s32 $_tile_overlayer_lowered  }
0x13: {  	s23 =	simm.s32 $0x1BFF;
	s22 =	sshll.u32 s5, $0x1;
	s1 =	sadd.s32 s20, s19  }
0x14: {  	s6 =	simm.s32 $0x0;
	s21 =	sshll.u32 s4, $0x1;
	s4 =	sadd.s32 s22, s1  }
0x15: {  	[timem:s6], [sflag:s23] =	dma.local [hbm:s4], s21  }
0x16: {  	_ =	swait.ge [sflag:s23], s21  }
0x17: {  	s2 =	ssub.s32 $0x0, s21;
	[sflag:s23] =	ssyncset.done $0x0  }
0x18: {  	[sflag:s23] =	ssyncadd.s32 s2;
	_ =	sdelay $0x1  }
0x19: {  	s24 =	simm.s32 $0x1B8B  }
0x1a: {  	_ =	swait.ge [sflag:s24], $0x1  }
0x1b: {  	[sflag:s24] =	ssyncset.done $0x0  }
0x1c: {  	s26 =	simm.s32 $0x1B8E;
	s25 =	sld [smem:$0x3FFE];
	[sflag:s24] =	ssyncadd.s32 $0xFFFFFFFF  }
0x1d: {  	s27 =	simm.s32 $execute0_lowered;
	[smem:$0x3FD2] =	sst s26  }
0x1e: {  	s4 =	sshll.u32 s27, $0x1;
	_ =	strace $0x8000004C;
	[dreg:$0x1] =	wrdreg $0xFFFFFFFF  }
0x1f: {  	s28 =	simm.s32 $_size_execute0_lowered;
	s1 =	sadd.s32 s1, s4;
	[dreg:$0x0] =	wrdreg $0x0  }
0x20: {  	s4 =	sshll.u32 s28, $0x1;
	[dreg:$0x2] =	wrdreg s1  }
0x21: {  	[dreg:$0x3] =	wrdreg s4  }
0x22: {  	[dreg:$0x4] =	wrdreg $0xC0  }
0x23: {  	_ =	task [dreg:s6], $0x5FFFF  }
0x24: {  	[dreg:$0x1] =	wrdreg $0xFFFFFFFF  }
0x25: {  	[dreg:$0x0] =	wrdreg $0x60  }
0x26: {  	[dreg:$0x2] =	wrdreg s25  }
0x27: {  	[dreg:$0x3] =	wrdreg $0x9  }
0x28: {  	_ =	task.clear_ibuf [dreg:s6], $0x4FFFF;
	_ =	strace $0x9000004C  }
0x29: {  	s29 =	simm.s32 $0x9;
	_ =	strace $0x8000004E  }
0x2a: {  	_ =	swait.ge [sflag:s29], $0x1  }
0x2b: {  	[sflag:s29] =	ssyncadd.s32 $0xFFFFFFFF  }
0x2c: {  	_ =	strace $0x9000004E  }
0x2d: {  	_ =	sfence  }
0x2e: {  	s30 =	sld [smem:$0x0];
	_ =	sdelay $0x2  }
0x2f: {  	s31 =	sshll.u32 s3, $0xD;
	s3 =	sshrl.u32 s3, $0x2  }
0x30: {  	s2 =	sand.u32 $0x4000, s31;
	s1 =	sadd.s32 s3, s30  }
0x31: {  	s0 =	sor.u32 s2, s0;
	s1 =	sshll.u32 s1, $0x11  }
0x32: {  	s0 =	sor.u32 s1, s0  }
0x33: {  	s0 =	sadd.s32 $0x8F2B, s0  }
0x34: {  	[sflag:s0] =	ssyncadd.remote.s32 $0x1  }
0x35: {  	_ =	sfence.sel $0xFFFF  }
0x36: {  	[dreg:$0x0] =	wrdreg $0xFFFFFFFF;
	(pc) =	sbr.abs _section_cstart, $3  }
0x37: {  	[dreg:$0x1] =	wrdreg $0xFFFFFFFF  }
0x38: {  	_ =	task.clear_ibuf [dreg:s6], $0x2FFFF;
	_ =	strace $0x9FFFFFFF  }
0x39: {  	(tm) =	ssettm $0x7FFFFFFF  }
tec
execute0_lowered:
.L_overlay_start_1:
0x0: {  	(tag) =	ssettag $0x1  }
0x1: {  	s0 =	srdreg.scid  }
0x2: {  	s5 =	rddreg [dreg:$0x0];
	s1 =	sshll.u32 s0, $0x4  }
0x3: {  	s4 =	simm.s32 $0x1;
	s0 =	stileid.u32;
	s1 =	sand.u32 $0x10, s1  }
0x4: {  	s8 =	simm.s32 $0x2;
	s12 =	simm.s32 $0x0;
	s2 =	sor.u32 s0, s1  }
0x5: {  	s11 =	simm.s32 $0x0;
	s9 =	simm.s32 $0x0;
	s2 =	sshll.u32 s2, $0x7  }
0x6: {  	s10 =	simm.s32 $0x0;
	s3 =	sadd.s32 $0x755400, s5;
	s6 =	ssub.s32 $0x4E200, s2  }
.Ltmp0:
0x7: {  	s1 =	rddreg [dreg:$0x1];
	s7 =	sand.u32 $0xF80, s6;
	(pc) =	sbr.rel .LBB1_1-.Ltmp0, $4  }
0x8: {  	_ =	strace $0x8000004D;
	p0 =	sne.s32 s7, $0x0;
	s7 =	simm.s32 $0x1  }
0x9: {  	[sflag:s4] =	ssyncpa.u1 $0x0;
	s6 =	sshrl.u32 s6, $0xC;
	s7 =	simm.s32 @!p0 $0x0  }
0xa: {  	s5 =	sadd.s32 $0x2400, s5;
	[sflag:s8] =	ssyncpa.u1 $0x0;
	s6 =	sadd.s32 s7, s6  }
0xb: {  	s8 =	smov.u32 s2;
	p0 =	por $0x0, $0x0;
	s7 =	sadd.s32 $0x1, s6  }
.LBB1_4:
0xc: {  	s12 =	sshll.u32 s12, $0x7;
	s18 =	sshll.u32 s11, $0x3  }
0xd: {  	v5 =	vld [tilespmem:s16+$0xFFFFFFD0];
	[tilespmem:s15+$0x2040 ss:$0x81] =	vst.msk $0xffff, v4;
	s19 =	sand.u32 $0xFFFFFC00, s12;
	s18 =	sand.u32 $0xFFFFFC00, s18  }
0xe: {  	v58 =	vld [tilespmem:s16+$0xFFFFFFE0];
	[tilespmem:s15+$0x2850 ss:$0x81] =	vst.msk $0xffff, v3;
	s12 =	sand.u32 $0x380, s12;
	s18 =	sadd.s32 s18, s19  }
0xf: {  	s17 =	sshra.s32 s17, $0x2;
	v59 =	vld [tilespmem:s16+$0xFFFFFFF0];
	[tilespmem:s15+$0x3060 ss:$0x81] =	vst.msk $0xffff, v2;
	s12 =	sor.u32 s12, s18  }
0x10: {  	v60 =	vld [tilespmem:s16+$0x0];
	[tilespmem:s15+$0x0 ss:$0x81] =	vst.msk $0xffff, v0;
	s14 =	sadd.s32 s17, s14;
	s12 =	sshrl.u32 s12, $0x7  }
0x11: {  	v61 =	vld [tilespmem:s16+$0x10];
	[tilespmem:s14+$0x3870 ss:$0x81] =	vst.msk $0xffff, v1;
	s28 =	smulhi.u32 $0x1A36E2F, s12  }
0x12: {  	v62 =	vld [tilespmem:s16+$0x20];
	[tilespmem:s14+$0x810 ss:$0x81] =	vst.msk $0xffff, v5  }
0x13: {  	v63 =	vld [tilespmem:s16+$0xFFFFFFC0];
	[tilespmem:s14+$0x1020 ss:$0x81] =	vst.msk $0xffff, v58;
	s15 =	sshrl.u32 s28, $0xB  }
0x14: {  	[tilespmem:s14+$0x1830 ss:$0x81] =	vst.msk $0xffff, v59;
	s15 =	smul.u32 $0x4E200, s15  }
0x15: {  	s29 =	sshrl.u32 s11, $0x3;
	[tilespmem:s14+$0x2040 ss:$0x81] =	vst.msk $0xffff, v60  }
0x16: {  	s30 =	sand.u32 $0xF, s29;
	[tilespmem:s14+$0x2850 ss:$0x81] =	vst.msk $0xffff, v61;
	s12 =	ssub.s32 s12, s15  }
0x17: {  	[tilespmem:s14+$0x3060 ss:$0x81] =	vst.msk $0xffff, v62;
	s15 =	sadd.s32 s5, s30;
	s12 =	sshll.u32 s12, $0x4  }
0x18: {  	s31 =	sand.u32 $0x7, s11;
	[tilespmem:s14+$0x0 ss:$0x81] =	vst.msk $0xffff, v63;
	s12 =	sadd.s32 s12, s15  }
0x19: {  	[hbm4b:s12+s31] =	stream.linear.scatter [tilespmem:s13], [sflag:$0x2], $0x4000, $0x20;
	[tilespmem:$0x10100] =	vst v63  }
.LBB1_5:
0x1a: {  	s13 =	sadd.s32 $0x1000, s8  }
0x1b: {  	s11 =	sadd.s32 $0x80, s9;
	s15 =	smov.u32 s9;
	p2 =	sgt.s32 s13, $0x4E1FF  }
0x1c: {  	s15 =	smov.u32 @p2 s11  }
0x1d: {  	s13 =	smov.u32 @p2 s2;
	p2 =	sgt.s32 s15, $0x7F  }
0x1e: {  	s15 =	simm.s32 @p2 $0x0;
	p2 =	sne.s32 s10, s7  }
.Ltmp1:
0x1f: {  	p1 =	slt.u32 s10, $0x2;
	(pc) =	sbr.rel @!p2 .LBB1_6-.Ltmp1, $4  }
0x20: {  	s14 =	simm.s32 @!p1 $0x2  }
0x21: {  	s12 =	smov.u32 s8;
	p0 =	por !p0, !p0;
	_ =	swait.ge @!p1 [sflag:s14], $0x4000  }
0x22: {  	s11 =	smov.u32 s9;
	[sflag:s14] =	ssyncset.done @!p1 $0x0;
	s8 =	smov.u32 s13  }
0x23: {  	s10 =	sadd.s32 $0x1, s10;
	[sflag:s14] =	ssyncadd.s32 @!p1 $0xFFFFC000;
	s9 =	smov.u32 s15  }
.LBB1_1:
0x24: {  	p1 =	sge.u32 s10, s6  }
0x25: {  	s13 =	sshrl.u32 @!p1 s9, $0x3  }
0x26: {  	s14 =	sshll.u32 @!p1 s8, $0x3;
	s13 =	smul.u32 @!p1 $0x271000, s13  }
0x27: {  	s15 =	sshll.u32 @!p1 s9, $0x7;
	s14 =	sand.u32 @!p1 $0xFFFFFC00, s14  }
0x28: {  	s13 =	sadd.s32 @!p1 s13, s14;
	s14 =	sand.u32 @!p1 $0x380, s15  }
0x29: {  	s15 =	sand.u32 @!p1 $0x7F, s8;
	s13 =	sor.u32 @!p1 s14, s13  }
0x2a: {  	s14 =	sor.u32 @!p1 s15, s13  }
0x2b: {  	s15 =	smulhi.u32 @!p1 $0xD1B71759, s14;
	_ =	sdelay $0x1  }
0x2c: {  	s13 =	smulhi.u32 @!p1 $0xD1B71759, s13;
	s15 =	sshrl.u32 @!p1 s15, $0x12  }
0x2d: {  	s15 =	smul.u32 @!p1 $0x4E200, s15  }
0x2e: {  	s31 =	sadd.s32 $0xFFFFFFFF, s10;
	s16 =	sxor.u32 @!p1 $0xFFFFFFFF, s10;
	s13 =	sshrl.u32 @!p1 s13, $0x12  }
0x2f: {  	s16 =	sshll.u32 @!p1 s16, $0xE;
	s13 =	sand.u32 @!p1 $0x7F, s13;
	s14 =	ssub.s32 @!p1 s14, s15  }
0x30: {  	s13 =	smul.u32 @!p1 $0x9C40, s13;
	s15 =	sshrl.u32 @!p1 s14, $0x3;
	s14 =	sand.u32 @!p1 $0x7, s14  }
0x31: {  	s16 =	sand.u32 @!p1 $0x4000, s16;
	s15 =	sadd.s32 @!p1 s3, s15;
	s14 =	sshll.u32 @!p1 s14, $0x12  }
0x32: {  	s13 =	sadd.s32 @!p1 s13, s15;
	s14 =	sor.u32 @!p1 $0x400, s14;
	s15 =	simm.s32 @!p1 $0x271000  }
0x33: {  	[tilespmem:s16], [sflag:$0x1] =	stream.strided.gather @!p1 [hbm4b:s13+s14], $0x4000, s15, s14, $0x38;
	[tilespmem:$0x10100] =	vst v63  }
0x34: {  	p1 =	sge.u32 s31, s6  }
.Ltmp2:
0x35: {  	_ = 	snop;
	(pc) =	sbr.rel @p1 .LBB1_5-.Ltmp2, $1  }
0x36: {  	_ =	sdelay $0x3  }
0x37: {  	s13 =	simm.s32 $0x1  }
0x38: {  	_ =	swait.ge [sflag:s4], $0x4000;
	s13 =	simm.s32 @!p0 $0x0  }
0x39: {  	[sflag:s4] =	ssyncset.done $0x0;
	s14 =	sshll.u32 s13, $0xE  }
0x3a: {  	[sflag:s4] =	ssyncadd.s32 $0xFFFFC000;
	s16 =	sor.u32 $0x40, s14  }
0x3b: {  	s13 =	smul.u32 $0x10200, s13;
	v0 =	vld [tilespmem:s16+$0x30]  }
0x3c: {  	v1 =	vld [tilespmem:s16+$0xFFFFFFD0]  }
0x3d: {  	s13 =	sshrl.u32 s13, $0x2;
	v5 =	vld [tilespmem:s16+$0xFFFFFFE0]  }
0x3e: {  	v6 =	vld [tilespmem:s16+$0xFFFFFFF0];
	s14 =	sor.u32 $0x8000, s13  }
0x3f: {  	s31 =	sand.u32 $0x1, s10;
	v4 =	vld [tilespmem:s16+$0x0];
	s15 =	sadd.s32 $0x0, s14  }
0x40: {  	v3 =	vld [tilespmem:s16+$0x10];
	s13 =	smul.u32 $0x10200, s31;
	[tilespmem:s15+$0x3870 ss:$0x81] =	vst.msk $0xffff, v0  }
0x41: {  	v2 =	vld [tilespmem:s16+$0x20];
	[tilespmem:s15+$0x810 ss:$0x81] =	vst.msk $0xffff, v1  }
0x42: {  	s13 =	sshrl.u32 s13, $0x2;
	v0 =	vld [tilespmem:s16+$0xFFFFFFC0];
	[tilespmem:s15+$0x1020 ss:$0x81] =	vst.msk $0xffff, v5;
	s16 =	sadd.s32 $0x80, s16  }
0x43: {  	s17 =	simm.s32 $0x4;
	s18 =	simm.s32 $0x8;
	s13 =	sor.u32 $0x8000, s13;
	[tilespmem:s15+$0x1830 ss:$0x81] =	vst.msk $0xffff, v6;
	v1 =	vld [tilespmem:s16+$0x30]  }
.LBB1_3:
0x44: {  	p1 =	sne.s32 s18, $0x1FC;
	v5 =	vld [tilespmem:s16+$0xFFFFFFD0];
	[tilespmem:s15+$0x2040 ss:$0x81] =	vst.msk $0xffff, v4  }
0x45: {  	v6 =	vld [tilespmem:s16+$0xFFFFFFE0];
	[tilespmem:s15+$0x2850 ss:$0x81] =	vst.msk $0xffff, v3  }
0x46: {  	s19 =	sshra.s32 s17, $0x2;
	s17 =	smov.u32 s18;
	v7 =	vld [tilespmem:s16+$0xFFFFFFF0];
	[tilespmem:s15+$0x3060 ss:$0x81] =	vst.msk $0xffff, v2  }
.Ltmp3:
0x47: {  	v4 =	vld [tilespmem:s16+$0x0];
	[tilespmem:s15+$0x0 ss:$0x81] =	vst.msk $0xffff, v0;
	s15 =	sadd.s32 s19, s14;
	(pc) =	sbr.rel @p1 .LBB1_3-.Ltmp3, $4  }
0x48: {  	v3 =	vld [tilespmem:s16+$0x10];
	[tilespmem:s15+$0x3870 ss:$0x81] =	vst.msk $0xffff, v1  }
0x49: {  	[tilespmem:s15+$0x810 ss:$0x81] =	vst.msk $0xffff, v5;
	v2 =	vld [tilespmem:s16+$0x20]  }
0x4a: {  	v0 =	vld [tilespmem:s16+$0xFFFFFFC0];
	[tilespmem:s15+$0x1020 ss:$0x81] =	vst.msk $0xffff, v6;
	s16 =	sadd.s32 $0x80, s16  }
0x4b: {  	s18 =	sadd.s32 $0x4, s18;
	v1 =	vld [tilespmem:s16+$0x30];
	[tilespmem:s15+$0x1830 ss:$0x81] =	vst.msk $0xffff, v7  }
.Ltmp4:
0x4c: {  	_ = 	snop;
	(pc) =	sbr.rel .LBB1_4-.Ltmp4, $1  }
0x4d: {  	_ =	sdelay $0x3  }
.LBB1_6:
0x4e: {  	_ =	sfence.sel $0x180000  }
0x4f: {  	s2 =	simm.s32 $0x1;
	[bflag:$0x0] =	sbarrier.arrive $0xFFFF  }
0x50: {  	s31 =	simm.s32 $0x2;
	[sflag:s2] =	ssyncpa.u1 $0x1  }
0x51: {  	[sflag:s31] =	ssyncpa.u1 $0x1  }
0x52: {  	p0 =	sne.s32 s0, $0x0;
	_ =	strace $0x9000004D  }
0x53: {  	s0 =	sadd.s32 @!p0 $0x100000, s1;
	[bflag:$0x2] =	sbarrier.arrive $0xFFFF  }
0x54: {  	[sflag:s0] =	ssyncadd.tile.s32 @!p0 $0x1;
	_ =	shalt  }
.Lfunc_end1:
_tile_overlayer_lowered:
.L_overlay_start_2:
0x55: {  	(tag) =	ssettag $0x2  }
0x56: {  	s0 =	rddreg [dreg:$0x0];
	s2 =	stileid.u32  }
0x57: {  	s1 =	rddreg [dreg:$0x1];
	p0 =	sne.s32 s2, $0x0  }
0x58: {  	s3 =	rddreg [dreg:$0x2];
	[bflag:$0x3] =	sbarrier.arrive $0xFFFF;
	s2 =	simm.s32 @!p0 $0x1C01  }
0x59: {  	[timem:s3], [sflag:s2] =	dma.local @!p0 [hbm:s0], s1  }
0x5a: {  	s0 =	simm.s32 @!p0 $0x1  }
0x5b: {  	_ =	swait.ge @!p0 [sflag:s0], s1  }
0x5c: {  	s1 =	ssub.s32 @!p0 $0x0, s1;
	[sflag:s0] =	ssyncset.done @!p0 $0x0  }
0x5d: {  	[sflag:s0] =	ssyncadd.s32 @!p0 s1  }
0x5e: {  	[bflag:$0x3] =	sbarrier.arrive $0xFFFF  }
0x5f: {  	_ =	shalt  }

</sc_bundles>
